<compile_context>
chip_gen: v7x
topology: tpu7x:2x2x1
jax: 0.10.2.dev20260603
libtpu: 0.0.44.dev20260713+nightly
codegen_flags: <defaults>
</compile_context>

<pallas_src>
import functools

import jax
import jax.numpy as jnp
from jax import lax
from jax.experimental import pallas as pl
from jax.experimental.pallas import tpu as pltpu
from jax.experimental.pallas import tpu_sc as plsc

N = 50000
E = 800000
DP = 40
B = 400
GRID = N // B
B3 = 2000
GRID3 = N // B3
NC = 2
NS = 16
W = 128
NWT = E // W
KMAX = -(-NWT // NS)
CH = 3128
ACC_ROWS = NS * CH
LASTCH = N - (NS - 1) * CH

f32 = jnp.float32


def _lrelu(x):
    return jnp.where(x >= 0, x, 0.1 * x)



def _pre_body(pose_ref, v0_ref, v1_ref, v2_ref, v3_ref, v0s_ref,
              wb1_ref, b1_ref, wb2_ref, b2_ref,
              ew1_ref, ew1b_ref, ew2_ref, ew2b_ref,
              x_ref, y_ref, s_ref):
    bf16 = jnp.bfloat16
    pe = jnp.concatenate([v0_ref[...], v1_ref[...], v2_ref[...]], axis=1)
    po = jnp.concatenate([v2_ref[...], v3_ref[...], v0s_ref[...]], axis=1)
    wb1 = wb1_ref[...]
    e1 = jnp.dot(pe, wb1, preferred_element_type=f32).astype(bf16)
    o1 = jnp.dot(po, wb1, preferred_element_type=f32).astype(bf16)
    b1row = b1_ref[...]
    v1e = _lrelu(e1.astype(f32) + b1row).astype(bf16)
    v1o = _lrelu(o1.astype(f32) + b1row).astype(bf16)
    v1es = jnp.concatenate([v1e[:, 1:], jnp.zeros((B, 1), bf16)], axis=1)
    p2 = jnp.concatenate([v1e, v1o, v1es], axis=1)
    out2 = jnp.dot(p2, wb2_ref[...], preferred_element_type=f32).astype(bf16)
    v = _lrelu(out2.astype(f32) + b2_ref[0])
    x = jnp.concatenate(
        [pose_ref[...], v[:, :31], jnp.zeros((B, DP - 34), f32)], axis=1)
    h = _lrelu(jnp.dot(x.astype(bf16), ew1_ref[...].astype(bf16),
                       preferred_element_type=f32) + ew1b_ref[...])
    s = jnp.dot(h.astype(bf16), ew2_ref[...].astype(bf16),
                preferred_element_type=f32) + ew2b_ref[0]
    x_ref[...] = x
    y_ref[...] = x * s
    s_ref[...] = s


def _pre(pose, v0, v1, v2, v3, v0s, w1r, b1, w2r, b2, ew1t, ew1b, ew2t, ew2b):
    blk = lambda shp: pl.BlockSpec(shp, lambda i: (i,) + (0,) * (len(shp) - 1))
    fixed = lambda shp: pl.BlockSpec(shp, lambda i: (0,) * len(shp))
    smem = pl.BlockSpec(memory_space=pltpu.SMEM)
    return pl.pallas_call(
        _pre_body,
        grid=(GRID,),
        in_specs=[blk((B, 3))] + [blk((B, 96))] * 5
        + [fixed((288, 288)), fixed((1, 288)), fixed((864, 32)), smem,
           fixed((DP, 64)), fixed((1, 64)), fixed((64, 1)), smem],
        out_specs=[blk((B, DP)), blk((B, DP)), blk((B, 1))],
        out_shape=[jax.ShapeDtypeStruct((N, DP), f32),
                   jax.ShapeDtypeStruct((N, DP), f32),
                   jax.ShapeDtypeStruct((N, 1), f32)],
    )(pose, v0, v1, v2, v3, v0s, w1r, b1, w2r, b2, ew1t, ew1b, ew2t, ew2b)



def _sc_body(ei, ytab, xtab, zrows, out_a, out_b, sidx, didx, rows, acc, sem):
    c = lax.axis_index("c")
    t = lax.axis_index("s")
    src = ei.at[0]
    dst = ei.at[1]

    def run(tab, outref):
        pltpu.sync_copy(zrows, acc.at[pl.ds(t * CH, CH)])
        plsc.subcore_barrier()

        def w_body(k, carry):
            wi = k * NS + t

            @pl.when(wi < NWT)
            def _():
                base = pl.multiple_of(wi * W, 128)
                pltpu.sync_copy(src.at[pl.ds(base, W)], sidx.at[0])
                pltpu.sync_copy(dst.at[pl.ds(base, W)], didx.at[0])
                pltpu.async_copy(tab.at[sidx.at[0]], rows, sem).wait()
                pltpu.sync_copy(rows, acc.at[didx.at[0]], add=True)

            return carry

        lax.fori_loop(0, KMAX, w_body, 0)
        plsc.subcore_barrier()

        @pl.when(t < NS - 1)
        def _():
            pltpu.sync_copy(acc.at[pl.ds(t * CH, CH)],
                            outref.at[pl.ds(t * CH, CH)])

        @pl.when(t == NS - 1)
        def _():
            pltpu.sync_copy(acc.at[pl.ds((NS - 1) * CH, LASTCH)],
                            outref.at[pl.ds((NS - 1) * CH, LASTCH)])

    @pl.when(c == 0)
    def _():
        run(ytab, out_a)

    @pl.when(c == 1)
    def _():
        run(xtab, out_b)


@functools.cache
def _sc_scatter_fn():
    return pl.kernel(
        _sc_body,
        out_type=(jax.ShapeDtypeStruct((N, DP), f32),
                  jax.ShapeDtypeStruct((N, DP), f32)),
        mesh=plsc.VectorSubcoreMesh(core_axis_name="c", subcore_axis_name="s",
                                    num_cores=NC, num_subcores=NS),
        scratch_types=[
            pltpu.VMEM((1, W), jnp.int32),
            pltpu.VMEM((1, W), jnp.int32),
            pltpu.VMEM((W, DP), f32),
            pltpu.VMEM_SHARED((ACC_ROWS, DP), f32),
            pltpu.SemaphoreType.DMA,
        ],
        compiler_params=pltpu.CompilerParams(use_tc_tiling_on_sc=False),
    )



def _post_body(agga_ref, aggb_ref, s_ref, x_ref,
               grel_ref, grelb_ref, groot_ref,
               l1_ref, l1b_ref, l2_ref, l2b_ref, l3_ref, l3b_ref,
               pred_ref, predb_ref, out_ref):
    bf16 = jnp.bfloat16
    s = s_ref[...]
    agg = 0.5 * (agga_ref[...] + s * aggb_ref[...])
    x = _lrelu(jnp.dot(agg.astype(bf16), grel_ref[...].astype(bf16),
                       preferred_element_type=f32)
               + grelb_ref[...]
               + jnp.dot(x_ref[...].astype(bf16), groot_ref[...].astype(bf16),
                         preferred_element_type=f32))
    x = _lrelu(jnp.dot(x.astype(bf16), l1_ref[...].astype(bf16),
                       preferred_element_type=f32) + l1b_ref[...])
    x = _lrelu(jnp.dot(x.astype(bf16), l2_ref[...].astype(bf16),
                       preferred_element_type=f32) + l2b_ref[...])
    x = _lrelu(jnp.dot(x.astype(bf16), l3_ref[...].astype(bf16),
                       preferred_element_type=f32) + l3b_ref[...])
    out_ref[...] = (jnp.dot(x.astype(bf16), pred_ref[...].astype(bf16),
                            preferred_element_type=f32) + predb_ref[0])


def _post(agga, aggb, s, x40, grelt, grelb, groott, l1t, l1b, l2t, l2b,
          l3t, l3b, predt, predb):
    blk = lambda shp: pl.BlockSpec(shp, lambda i: (i,) + (0,) * (len(shp) - 1))
    fixed = lambda shp: pl.BlockSpec(shp, lambda i: (0,) * len(shp))
    smem = pl.BlockSpec(memory_space=pltpu.SMEM)
    return pl.pallas_call(
        _post_body,
        grid=(GRID3,),
        in_specs=[blk((B3, DP)), blk((B3, DP)), blk((B3, 1)), blk((B3, DP)),
                  fixed((DP, 64)), fixed((1, 64)), fixed((DP, 64)),
                  fixed((64, 64)), fixed((1, 64)),
                  fixed((64, 64)), fixed((1, 64)),
                  fixed((64, 64)), fixed((1, 64)),
                  fixed((64, 1)), smem],
        out_specs=blk((B3, 1)),
        out_shape=jax.ShapeDtypeStruct((N, 1), f32),
    )(agga, aggb, s, x40, grelt, grelb, groott, l1t, l1b, l2t, l2b, l3t, l3b,
      predt, predb)



def kernel(pose, views, edge_index, conv1_w, conv1_b, conv2_w, conv2_b,
           ew1_w, ew1_b, ew2_w, ew2_b, grel_w, grel_b, groot_w,
           lin1_w, lin1_b, lin2_w, lin2_b, lin3_w, lin3_b, pred_w, pred_b):
    bf16 = jnp.bfloat16
    vp = jnp.pad(views.astype(bf16), ((0, 0), (0, 0), (0, 1)))
    v4 = vp.reshape(N, 3, 32, 4)
    vr = [v4[..., r].reshape(N, 96) for r in range(4)]
    v0s = jnp.concatenate(
        [v4[..., 0][:, :, 1:], jnp.zeros((N, 3, 1), bf16)], axis=2).reshape(N, 96)
    eye32 = jnp.eye(32, dtype=f32)
    w1r = conv1_w.transpose(0, 2, 1).reshape(9, 9)
    wb1 = (w1r.T[:, None, :, None] * eye32[None, :, None, :]
           ).reshape(288, 288).astype(bf16)
    w2r = conv2_w[0].transpose(1, 0).reshape(27)
    wb2 = (w2r[:, None, None] * eye32[None, :, :]).reshape(864, 32).astype(bf16)
    b1row = jnp.repeat(conv1_b, 32).reshape(1, 288)
    pad40 = lambda m: jnp.pad(m.T, ((0, DP - 34), (0, 0)))

    x40, y40, s = _pre(pose, vr[0], vr[1], vr[2], vr[3], v0s,
                       wb1, b1row, wb2, conv2_b,
                       pad40(ew1_w), ew1_b.reshape(1, 64),
                       ew2_w.T, ew2_b)

    zrows = jnp.zeros((CH, DP), f32)
    agg_a, agg_b = _sc_scatter_fn()(edge_index, y40, x40, zrows)

    return _post(agg_a, agg_b, s, x40,
                 pad40(grel_w), grel_b.reshape(1, 64), pad40(groot_w),
                 lin1_w.T, lin1_b.reshape(1, 64),
                 lin2_w.T, lin2_b.reshape(1, 64),
                 lin3_w.T, lin3_b.reshape(1, 64),
                 pred_w.T, pred_b)

# --- scband reference (transcript-rebuilt; emitter-appended) ---
"""Pipeline reference for scband-edgeweight-swarm-net-32753420599779 (READ-ONLY COPY).

The authoritative reference and input builder live on the scoring server;
editing this copy changes nothing except your own understanding.
"""

import jax, jax.numpy as jnp
import numpy as np

N_NODES = 50000
N_EDGES = 800000
POS = 3
HID = 64
OUT = 1
CC = 3
CW = 127
D = POS + 31


def lrelu(x):
    return jnp.where(x >= 0, x, 0.1 * x)


def conv1d(x, w, b):
    y = jax.lax.conv_general_dilated(x, w, window_strides=(2,), padding='VALID', dimension_numbers=('NCH', 'OIH', 'NCH'))
    return y + b.reshape(1, -1, 1)


def setup_inputs(seed: int = 0):
    key = jax.random.key(seed)
    ks = jax.random.split(key, 16)
    def p(k, shape, fan):
        return (jax.random.normal(k, shape, dtype=jnp.float32) / np.sqrt(fan)).astype(jnp.float32)
    inp = {}
    inp['pose'] = jax.random.normal(ks[0], (N_NODES, POS), dtype=jnp.float32)
    inp['views'] = jax.random.normal(ks[1], (N_NODES, CC, CW), dtype=jnp.float32)
    inp['edge_index'] = jax.random.randint(ks[2], (2, N_EDGES), 0, N_NODES, dtype=jnp.int32)
    inp['conv1_w'] = p(ks[3], (CC * CC, CC, 3), CC * 3)
    inp['conv1_b'] = jnp.zeros((CC * CC,), jnp.float32)
    inp['conv2_w'] = p(ks[4], (1, CC * CC, 3), CC * CC * 3)
    inp['conv2_b'] = jnp.zeros((1,), jnp.float32)
    inp['ew1_w'] = p(ks[5], (HID, D), D)
    inp['ew1_b'] = jnp.zeros((HID,), jnp.float32)
    inp['ew2_w'] = p(ks[6], (1, HID), HID)
    inp['ew2_b'] = jnp.zeros((1,), jnp.float32)
    inp['grel_w'] = p(ks[7], (HID, D), D)
    inp['grel_b'] = jnp.zeros((HID,), jnp.float32)
    inp['groot_w'] = p(ks[8], (HID, D), D)
    inp['lin1_w'] = p(ks[9], (HID, HID), HID)
    inp['lin1_b'] = jnp.zeros((HID,), jnp.float32)
    inp['lin2_w'] = p(ks[10], (HID, HID), HID)
    inp['lin2_b'] = jnp.zeros((HID,), jnp.float32)
    inp['lin3_w'] = p(ks[11], (HID, HID), HID)
    inp['lin3_b'] = jnp.zeros((HID,), jnp.float32)
    inp['pred_w'] = p(ks[12], (OUT, HID), HID)
    inp['pred_b'] = jnp.zeros((OUT,), jnp.float32)
    return inp


def reference(pose, views, edge_index, conv1_w, conv1_b, conv2_w, conv2_b, ew1_w, ew1_b, ew2_w, ew2_b, grel_w, grel_b, groot_w, lin1_w, lin1_b, lin2_w, lin2_b, lin3_w, lin3_b, pred_w, pred_b):
    v = lrelu(conv1d(views, conv1_w, conv1_b))
    v = lrelu(conv1d(v, conv2_w, conv2_b))
    x_new = jnp.concatenate([pose, v[:, 0, :]], axis=1)
    xe = x_new[edge_index]
    h = lrelu(jnp.einsum('ked,hd->keh', xe, ew1_w) + ew1_b)
    ew = jnp.einsum('keh,oh->keo', h, ew2_w) + ew2_b
    edge_weights = jnp.mean(ew, axis=0).squeeze()
    ewf = edge_weights.reshape(-1)
    src = edge_index[0]
    dst = edge_index[1]
    msg = x_new[src] * ewf[:, None]
    agg = jnp.zeros_like(x_new).at[dst].add(msg)
    x = lrelu(agg @ grel_w.T + grel_b + x_new @ groot_w.T)
    x = lrelu(x @ lin1_w.T + lin1_b)
    x = lrelu(x @ lin2_w.T + lin2_b)
    x = lrelu(x @ lin3_w.T + lin3_b)
    x = x @ pred_w.T + pred_b
    return x

if __name__ == "__main__":
    import jax
    _d = setup_inputs()
    print(jax.jit(kernel)(*tuple(_d.values())))

</pallas_src>

<mosaic_0001>
#map = affine_map<(d0, d1) -> (0, 0)>
module attributes {stable_mosaic.version = 14 : i64} {
  func.func @_sc_body(%arg0: i32, %arg1: i32, %arg2: memref<2x800000xi32, #tpu.memory_space<hbm>>, %arg3: memref<50000x40xf32, #tpu.memory_space<hbm>>, %arg4: memref<50000x40xf32, #tpu.memory_space<hbm>>, %arg5: memref<3128x40xf32, #tpu.memory_space<hbm>>, %arg6: memref<50000x40xf32, #tpu.memory_space<hbm>>, %arg7: memref<50000x40xf32, #tpu.memory_space<hbm>>, %arg8: memref<1x128xi32, #tpu.memory_space<vmem>>, %arg9: memref<1x128xi32, #tpu.memory_space<vmem>>, %arg10: memref<128x40xf32, #tpu.memory_space<vmem>>, %arg11: memref<50048x40xf32, #tpu.memory_space<vmem_shared>>, %arg12: memref<!tpu.dma_semaphore, #tpu.memory_space<semaphore_mem>>) attributes {dimension_semantics = [#tpu.dimension_semantics<core_parallel>, #tpu.dimension_semantics<subcore_parallel>], iteration_bounds = array<i64: 2, 16>, scalar_prefetch = 0 : i64, scratch_operands = 5 : i64, tpu.core_type = #tpu.core_type<sc_vector_subcore>, window_params = [{transform_indices = #map}, {transform_indices = #map}, {transform_indices = #map}, {transform_indices = #map}, {transform_indices = #map}, {transform_indices = #map}]} {
    %eq3A = arith.constant 0 : i32
    %eq3A_0 = arith.cmpi eq, %arg0, %eq3A : i32
    %convert_element_type3A = arith.extui %eq3A_0 : i1 to i32
    %cond3A = arith.constant 0 : i32
    %cond3A_1 = arith.constant 1 : i32
    %cond3A_2 = arith.constant 0 : i32
    %cond3A_3 = arith.cmpi ne, %convert_element_type3A, %cond3A_2 : i32
    scf.if %cond3A_3 {
      %mul3A = arith.constant 3128 : i32
      %mul3A_11 = arith.muli %arg1, %mul3A : i32
      "tpu.region"() ({
        %run_scoped3A = tpu.sem_alloc : memref<!tpu.dma_semaphore, #tpu.memory_space<semaphore_mem>>
        %dma_start3A = arith.constant 0 : i32
        %dma_start3A_27 = tpu.memref_slice %arg11[%mul3A_11, %dma_start3A] : memref<50048x40xf32, #tpu.memory_space<vmem_shared>> -> memref<3128x40xf32, #tpu.memory_space<vmem_shared>>
        tpu.enqueue_dma source(%arg5 : memref<3128x40xf32, #tpu.memory_space<hbm>>) target(%dma_start3A_27 : memref<3128x40xf32, #tpu.memory_space<vmem_shared>>) target_semaphore(%run_scoped3A : memref<!tpu.dma_semaphore, #tpu.memory_space<semaphore_mem>>)
        %dma_wait3A = arith.constant 0 : i32
        %dma_wait3A_28 = tpu.memref_slice %arg11[%mul3A_11, %dma_wait3A] : memref<50048x40xf32, #tpu.memory_space<vmem_shared>> -> memref<3128x40xf32, #tpu.memory_space<vmem_shared>>
        tpu.wait_dma2 semaphore(%run_scoped3A : memref<!tpu.dma_semaphore, #tpu.memory_space<semaphore_mem>>) src(%arg5 : memref<3128x40xf32, #tpu.memory_space<hbm>>) dst(%dma_wait3A_28 : memref<3128x40xf32, #tpu.memory_space<vmem_shared>>)
        tpu.yield
      }) : () -> ()
      %barrier3A = arith.constant 0 : index
      tpu.barrier barrier_id(%barrier3A)
      %scan3A = arith.constant 0 : i32
      %scan3A_12 = arith.constant 0 : i32
      %scan3A_13 = arith.constant 391 : i32
      %scan3A_14 = arith.addi %scan3A_12, %scan3A_13 : i32
      %scan3A_15 = arith.constant 1 : i32
      scf.for %scan3A_27 = %scan3A_12 to %scan3A_14 step %scan3A_15  : i32 {
        %mul3A_28 = arith.constant 16 : i32
        %mul3A_29 = arith.muli %scan3A_27, %mul3A_28 : i32
        %add3A = arith.addi %mul3A_29, %arg1 : i32
        %lt3A_30 = arith.constant 6250 : i32
        %lt3A_31 = arith.cmpi slt, %add3A, %lt3A_30 : i32
        %convert_element_type3A_32 = arith.extui %lt3A_31 : i1 to i32
        %cond3A_33 = arith.constant 0 : i32
        %cond3A_34 = arith.cmpi ne, %convert_element_type3A_32, %cond3A_33 : i32
        scf.if %cond3A_34 {
          %mul3A_35 = arith.constant 128 : i32
          %mul3A_36 = arith.muli %add3A, %mul3A_35 : i32
          %multiple_of3A = tpu.assume_multiple %mul3A_36, 128 : i32
          %run_scoped3A = arith.constant 0 : i32
          "tpu.region"() ({
            %run_scoped3A_51 = tpu.sem_alloc : memref<!tpu.dma_semaphore, #tpu.memory_space<semaphore_mem>>
            %dma_start3A_52 = arith.constant 0 : i32
            %dma_start3A_53 = tpu.memref_slice %arg8[%run_scoped3A, %dma_start3A_52] : memref<1x128xi32, #tpu.memory_space<vmem>> -> memref<1x128xi32, #tpu.memory_space<vmem>>
            %dma_start3A_54 = tpu.memref_squeeze %dma_start3A_53 : memref<1x128xi32, #tpu.memory_space<vmem>> -> memref<128xi32, #tpu.memory_space<vmem>>
            %dma_start3A_55 = arith.constant 0 : i32
            %dma_start3A_56 = tpu.memref_slice %arg2[%cond3A, %dma_start3A_55] : memref<2x800000xi32, #tpu.memory_space<hbm>> -> memref<1x800000xi32, #tpu.memory_space<hbm>>
            %dma_start3A_57 = tpu.memref_squeeze %dma_start3A_56 : memref<1x800000xi32, #tpu.memory_space<hbm>> -> memref<800000xi32, #tpu.memory_space<hbm>>
            %dma_start3A_58 = tpu.memref_slice %dma_start3A_57[%multiple_of3A] : memref<800000xi32, #tpu.memory_space<hbm>> -> memref<128xi32, #tpu.memory_space<hbm>>
            %dma_start3A_59 = arith.constant 0 : i32
            %dma_start3A_60 = tpu.memref_slice %arg8[%run_scoped3A, %dma_start3A_59] : memref<1x128xi32, #tpu.memory_space<vmem>> -> memref<1x128xi32, #tpu.memory_space<vmem>>
            %dma_start3A_61 = tpu.memref_squeeze %dma_start3A_60 : memref<1x128xi32, #tpu.memory_space<vmem>> -> memref<128xi32, #tpu.memory_space<vmem>>
            %dma_start3A_62 = arith.constant 0 : i32
            %dma_start3A_63 = tpu.memref_slice %arg2[%cond3A, %dma_start3A_62] : memref<2x800000xi32, #tpu.memory_space<hbm>> -> memref<1x800000xi32, #tpu.memory_space<hbm>>
            %dma_start3A_64 = tpu.memref_squeeze %dma_start3A_63 : memref<1x800000xi32, #tpu.memory_space<hbm>> -> memref<800000xi32, #tpu.memory_space<hbm>>
            %dma_start3A_65 = tpu.memref_slice %dma_start3A_64[%multiple_of3A] : memref<800000xi32, #tpu.memory_space<hbm>> -> memref<128xi32, #tpu.memory_space<hbm>>
            tpu.enqueue_dma source(%dma_start3A_65 : memref<128xi32, #tpu.memory_space<hbm>>) target(%dma_start3A_61 : memref<128xi32, #tpu.memory_space<vmem>>) target_semaphore(%run_scoped3A_51 : memref<!tpu.dma_semaphore, #tpu.memory_space<semaphore_mem>>)
            %dma_wait3A_66 = arith.constant 0 : i32
            %dma_wait3A_67 = tpu.memref_slice %arg8[%run_scoped3A, %dma_wait3A_66] : memref<1x128xi32, #tpu.memory_space<vmem>> -> memref<1x128xi32, #tpu.memory_space<vmem>>
            %dma_wait3A_68 = tpu.memref_squeeze %dma_wait3A_67 : memref<1x128xi32, #tpu.memory_space<vmem>> -> memref<128xi32, #tpu.memory_space<vmem>>
            %dma_wait3A_69 = arith.constant 0 : i32
            %dma_wait3A_70 = tpu.memref_slice %arg2[%cond3A, %dma_wait3A_69] : memref<2x800000xi32, #tpu.memory_space<hbm>> -> memref<1x800000xi32, #tpu.memory_space<hbm>>
            %dma_wait3A_71 = tpu.memref_squeeze %dma_wait3A_70 : memref<1x800000xi32, #tpu.memory_space<hbm>> -> memref<800000xi32, #tpu.memory_space<hbm>>
            %dma_wait3A_72 = tpu.memref_slice %dma_wait3A_71[%multiple_of3A] : memref<800000xi32, #tpu.memory_space<hbm>> -> memref<128xi32, #tpu.memory_space<hbm>>
            %dma_wait3A_73 = arith.constant 0 : i32
            %dma_wait3A_74 = tpu.memref_slice %arg8[%run_scoped3A, %dma_wait3A_73] : memref<1x128xi32, #tpu.memory_space<vmem>> -> memref<1x128xi32, #tpu.memory_space<vmem>>
            %dma_wait3A_75 = tpu.memref_squeeze %dma_wait3A_74 : memref<1x128xi32, #tpu.memory_space<vmem>> -> memref<128xi32, #tpu.memory_space<vmem>>
            %dma_wait3A_76 = arith.constant 0 : i32
            %dma_wait3A_77 = tpu.memref_slice %arg2[%cond3A, %dma_wait3A_76] : memref<2x800000xi32, #tpu.memory_space<hbm>> -> memref<1x800000xi32, #tpu.memory_space<hbm>>
            %dma_wait3A_78 = tpu.memref_squeeze %dma_wait3A_77 : memref<1x800000xi32, #tpu.memory_space<hbm>> -> memref<800000xi32, #tpu.memory_space<hbm>>
            %dma_wait3A_79 = tpu.memref_slice %dma_wait3A_78[%multiple_of3A] : memref<800000xi32, #tpu.memory_space<hbm>> -> memref<128xi32, #tpu.memory_space<hbm>>
            tpu.wait_dma2 semaphore(%run_scoped3A_51 : memref<!tpu.dma_semaphore, #tpu.memory_space<semaphore_mem>>) src(%dma_wait3A_79 : memref<128xi32, #tpu.memory_space<hbm>>) dst(%dma_wait3A_75 : memref<128xi32, #tpu.memory_space<vmem>>)
            tpu.yield
          }) : () -> ()
          %run_scoped3A_37 = arith.constant 0 : i32
          "tpu.region"() ({
            %run_scoped3A_51 = tpu.sem_alloc : memref<!tpu.dma_semaphore, #tpu.memory_space<semaphore_mem>>
            %dma_start3A_52 = arith.constant 0 : i32
            %dma_start3A_53 = tpu.memref_slice %arg9[%run_scoped3A_37, %dma_start3A_52] : memref<1x128xi32, #tpu.memory_space<vmem>> -> memref<1x128xi32, #tpu.memory_space<vmem>>
            %dma_start3A_54 = tpu.memref_squeeze %dma_start3A_53 : memref<1x128xi32, #tpu.memory_space<vmem>> -> memref<128xi32, #tpu.memory_space<vmem>>
            %dma_start3A_55 = arith.constant 0 : i32
            %dma_start3A_56 = tpu.memref_slice %arg2[%cond3A_1, %dma_start3A_55] : memref<2x800000xi32, #tpu.memory_space<hbm>> -> memref<1x800000xi32, #tpu.memory_space<hbm>>
            %dma_start3A_57 = tpu.memref_squeeze %dma_start3A_56 : memref<1x800000xi32, #tpu.memory_space<hbm>> -> memref<800000xi32, #tpu.memory_space<hbm>>
            %dma_start3A_58 = tpu.memref_slice %dma_start3A_57[%multiple_of3A] : memref<800000xi32, #tpu.memory_space<hbm>> -> memref<128xi32, #tpu.memory_space<hbm>>
            %dma_start3A_59 = arith.constant 0 : i32
            %dma_start3A_60 = tpu.memref_slice %arg9[%run_scoped3A_37, %dma_start3A_59] : memref<1x128xi32, #tpu.memory_space<vmem>> -> memref<1x128xi32, #tpu.memory_space<vmem>>
            %dma_start3A_61 = tpu.memref_squeeze %dma_start3A_60 : memref<1x128xi32, #tpu.memory_space<vmem>> -> memref<128xi32, #tpu.memory_space<vmem>>
            %dma_start3A_62 = arith.constant 0 : i32
            %dma_start3A_63 = tpu.memref_slice %arg2[%cond3A_1, %dma_start3A_62] : memref<2x800000xi32, #tpu.memory_space<hbm>> -> memref<1x800000xi32, #tpu.memory_space<hbm>>
            %dma_start3A_64 = tpu.memref_squeeze %dma_start3A_63 : memref<1x800000xi32, #tpu.memory_space<hbm>> -> memref<800000xi32, #tpu.memory_space<hbm>>
            %dma_start3A_65 = tpu.memref_slice %dma_start3A_64[%multiple_of3A] : memref<800000xi32, #tpu.memory_space<hbm>> -> memref<128xi32, #tpu.memory_space<hbm>>
            tpu.enqueue_dma source(%dma_start3A_65 : memref<128xi32, #tpu.memory_space<hbm>>) target(%dma_start3A_61 : memref<128xi32, #tpu.memory_space<vmem>>) target_semaphore(%run_scoped3A_51 : memref<!tpu.dma_semaphore, #tpu.memory_space<semaphore_mem>>)
            %dma_wait3A_66 = arith.constant 0 : i32
            %dma_wait3A_67 = tpu.memref_slice %arg9[%run_scoped3A_37, %dma_wait3A_66] : memref<1x128xi32, #tpu.memory_space<vmem>> -> memref<1x128xi32, #tpu.memory_space<vmem>>
            %dma_wait3A_68 = tpu.memref_squeeze %dma_wait3A_67 : memref<1x128xi32, #tpu.memory_space<vmem>> -> memref<128xi32, #tpu.memory_space<vmem>>
            %dma_wait3A_69 = arith.constant 0 : i32
            %dma_wait3A_70 = tpu.memref_slice %arg2[%cond3A_1, %dma_wait3A_69] : memref<2x800000xi32, #tpu.memory_space<hbm>> -> memref<1x800000xi32, #tpu.memory_space<hbm>>
            %dma_wait3A_71 = tpu.memref_squeeze %dma_wait3A_70 : memref<1x800000xi32, #tpu.memory_space<hbm>> -> memref<800000xi32, #tpu.memory_space<hbm>>
            %dma_wait3A_72 = tpu.memref_slice %dma_wait3A_71[%multiple_of3A] : memref<800000xi32, #tpu.memory_space<hbm>> -> memref<128xi32, #tpu.memory_space<hbm>>
            %dma_wait3A_73 = arith.constant 0 : i32
            %dma_wait3A_74 = tpu.memref_slice %arg9[%run_scoped3A_37, %dma_wait3A_73] : memref<1x128xi32, #tpu.memory_space<vmem>> -> memref<1x128xi32, #tpu.memory_space<vmem>>
            %dma_wait3A_75 = tpu.memref_squeeze %dma_wait3A_74 : memref<1x128xi32, #tpu.memory_space<vmem>> -> memref<128xi32, #tpu.memory_space<vmem>>
            %dma_wait3A_76 = arith.constant 0 : i32
            %dma_wait3A_77 = tpu.memref_slice %arg2[%cond3A_1, %dma_wait3A_76] : memref<2x800000xi32, #tpu.memory_space<hbm>> -> memref<1x800000xi32, #tpu.memory_space<hbm>>
            %dma_wait3A_78 = tpu.memref_squeeze %dma_wait3A_77 : memref<1x800000xi32, #tpu.memory_space<hbm>> -> memref<800000xi32, #tpu.memory_space<hbm>>
            %dma_wait3A_79 = tpu.memref_slice %dma_wait3A_78[%multiple_of3A] : memref<800000xi32, #tpu.memory_space<hbm>> -> memref<128xi32, #tpu.memory_space<hbm>>
            tpu.wait_dma2 semaphore(%run_scoped3A_51 : memref<!tpu.dma_semaphore, #tpu.memory_space<semaphore_mem>>) src(%dma_wait3A_79 : memref<128xi32, #tpu.memory_space<hbm>>) dst(%dma_wait3A_75 : memref<128xi32, #tpu.memory_space<vmem>>)
            tpu.yield
          }) : () -> ()
          %dma_start3A = arith.constant 0 : i32
          %dma_start3A_38 = arith.constant 0 : i32
          %dma_start3A_39 = tpu.memref_slice %arg8[%dma_start3A, %dma_start3A_38] : memref<1x128xi32, #tpu.memory_space<vmem>> -> memref<1x128xi32, #tpu.memory_space<vmem>>
          %dma_start3A_40 = tpu.memref_squeeze %dma_start3A_39 : memref<1x128xi32, #tpu.memory_space<vmem>> -> memref<128xi32, #tpu.memory_space<vmem>>
          %dma_start3A_41 = arith.constant 0 : i32
          %dma_start3A_42 = arith.constant 0 : i32
          %dma_start3A_43 = tpu.memref_slice %arg3[%dma_start3A_41, %dma_start3A_42] : memref<50000x40xf32, #tpu.memory_space<hbm>> -> memref<50000x40xf32, #tpu.memory_space<hbm>>
          tpu.enqueue_indirect_dma source(%dma_start3A_43 : memref<50000x40xf32, #tpu.memory_space<hbm>>) target(%arg10 : memref<128x40xf32, #tpu.memory_space<vmem>>) offsets(%dma_start3A_40 : memref<128xi32, #tpu.memory_space<vmem>>) semaphore(%arg12 : memref<!tpu.dma_semaphore, #tpu.memory_space<semaphore_mem>>)
          %dma_wait3A = arith.constant 0 : i32
          %dma_wait3A_44 = arith.constant 0 : i32
          %dma_wait3A_45 = tpu.memref_slice %arg8[%dma_wait3A, %dma_wait3A_44] : memref<1x128xi32, #tpu.memory_space<vmem>> -> memref<1x128xi32, #tpu.memory_space<vmem>>
          %dma_wait3A_46 = tpu.memref_squeeze %dma_wait3A_45 : memref<1x128xi32, #tpu.memory_space<vmem>> -> memref<128xi32, #tpu.memory_space<vmem>>
          %dma_wait3A_47 = arith.constant 0 : i32
          %dma_wait3A_48 = arith.constant 0 : i32
          %dma_wait3A_49 = tpu.memref_slice %arg3[%dma_wait3A_47, %dma_wait3A_48] : memref<50000x40xf32, #tpu.memory_space<hbm>> -> memref<50000x40xf32, #tpu.memory_space<hbm>>
          tpu.wait_indirect_dma semaphore(%arg12 : memref<!tpu.dma_semaphore, #tpu.memory_space<semaphore_mem>>) src(%dma_wait3A_49 : memref<50000x40xf32, #tpu.memory_space<hbm>>) dst(%arg10 : memref<128x40xf32, #tpu.memory_space<vmem>>)
          %run_scoped3A_50 = arith.constant 0 : i32
          "tpu.region"() ({
            %run_scoped3A_51 = tpu.sem_alloc : memref<!tpu.dma_semaphore, #tpu.memory_space<semaphore_mem>>
            %dma_start3A_52 = arith.constant 0 : i32
            %dma_start3A_53 = tpu.memref_slice %arg9[%run_scoped3A_50, %dma_start3A_52] : memref<1x128xi32, #tpu.memory_space<vmem>> -> memref<1x128xi32, #tpu.memory_space<vmem>>
            %dma_start3A_54 = tpu.memref_squeeze %dma_start3A_53 : memref<1x128xi32, #tpu.memory_space<vmem>> -> memref<128xi32, #tpu.memory_space<vmem>>
            %dma_start3A_55 = arith.constant 0 : i32
            %dma_start3A_56 = arith.constant 0 : i32
            %dma_start3A_57 = tpu.memref_slice %arg11[%dma_start3A_55, %dma_start3A_56] : memref<50048x40xf32, #tpu.memory_space<vmem_shared>> -> memref<50048x40xf32, #tpu.memory_space<vmem_shared>>
            tpu.enqueue_indirect_dma source(%arg10 : memref<128x40xf32, #tpu.memory_space<vmem>>) target(%dma_start3A_57 : memref<50048x40xf32, #tpu.memory_space<vmem_shared>>) offsets(%dma_start3A_54 : memref<128xi32, #tpu.memory_space<vmem>>) semaphore(%run_scoped3A_51 : memref<!tpu.dma_semaphore, #tpu.memory_space<semaphore_mem>>) {add = true}
            %dma_wait3A_58 = arith.constant 0 : i32
            %dma_wait3A_59 = tpu.memref_slice %arg9[%run_scoped3A_50, %dma_wait3A_58] : memref<1x128xi32, #tpu.memory_space<vmem>> -> memref<1x128xi32, #tpu.memory_space<vmem>>
            %dma_wait3A_60 = tpu.memref_squeeze %dma_wait3A_59 : memref<1x128xi32, #tpu.memory_space<vmem>> -> memref<128xi32, #tpu.memory_space<vmem>>
            %dma_wait3A_61 = arith.constant 0 : i32
            %dma_wait3A_62 = arith.constant 0 : i32
            %dma_wait3A_63 = tpu.memref_slice %arg11[%dma_wait3A_61, %dma_wait3A_62] : memref<50048x40xf32, #tpu.memory_space<vmem_shared>> -> memref<50048x40xf32, #tpu.memory_space<vmem_shared>>
            tpu.wait_indirect_dma semaphore(%run_scoped3A_51 : memref<!tpu.dma_semaphore, #tpu.memory_space<semaphore_mem>>) src(%arg10 : memref<128x40xf32, #tpu.memory_space<vmem>>) dst(%dma_wait3A_63 : memref<50048x40xf32, #tpu.memory_space<vmem_shared>>)
            tpu.yield
          }) : () -> ()
        } else {
        }
      }
      %scan3A_16 = arith.constant 391 : i32
      %barrier3A_17 = arith.constant 0 : index
      tpu.barrier barrier_id(%barrier3A_17)
      %lt3A = arith.constant 15 : i32
      %lt3A_18 = arith.cmpi slt, %arg1, %lt3A : i32
      %convert_element_type3A_19 = arith.extui %lt3A_18 : i1 to i32
      %cond3A_20 = arith.constant 0 : i32
      %cond3A_21 = arith.cmpi ne, %convert_element_type3A_19, %cond3A_20 : i32
      scf.if %cond3A_21 {
        %mul3A_27 = arith.constant 3128 : i32
        %mul3A_28 = arith.muli %arg1, %mul3A_27 : i32
        %mul3A_29 = arith.constant 3128 : i32
        %mul3A_30 = arith.muli %arg1, %mul3A_29 : i32
        "tpu.region"() ({
          %run_scoped3A = tpu.sem_alloc : memref<!tpu.dma_semaphore, #tpu.memory_space<semaphore_mem>>
          %dma_start3A = arith.constant 0 : i32
          %dma_start3A_31 = tpu.memref_slice %arg6[%mul3A_30, %dma_start3A] : memref<50000x40xf32, #tpu.memory_space<hbm>> -> memref<3128x40xf32, #tpu.memory_space<hbm>>
          %dma_start3A_32 = arith.constant 0 : i32
          %dma_start3A_33 = tpu.memref_slice %arg11[%mul3A_28, %dma_start3A_32] : memref<50048x40xf32, #tpu.memory_space<vmem_shared>> -> memref<3128x40xf32, #tpu.memory_space<vmem_shared>>
          tpu.enqueue_dma source(%dma_start3A_33 : memref<3128x40xf32, #tpu.memory_space<vmem_shared>>) target(%dma_start3A_31 : memref<3128x40xf32, #tpu.memory_space<hbm>>) target_semaphore(%run_scoped3A : memref<!tpu.dma_semaphore, #tpu.memory_space<semaphore_mem>>)
          %dma_wait3A = arith.constant 0 : i32
          %dma_wait3A_34 = tpu.memref_slice %arg6[%mul3A_30, %dma_wait3A] : memref<50000x40xf32, #tpu.memory_space<hbm>> -> memref<3128x40xf32, #tpu.memory_space<hbm>>
          %dma_wait3A_35 = arith.constant 0 : i32
          %dma_wait3A_36 = tpu.memref_slice %arg11[%mul3A_28, %dma_wait3A_35] : memref<50048x40xf32, #tpu.memory_space<vmem_shared>> -> memref<3128x40xf32, #tpu.memory_space<vmem_shared>>
          tpu.wait_dma2 semaphore(%run_scoped3A : memref<!tpu.dma_semaphore, #tpu.memory_space<semaphore_mem>>) src(%dma_wait3A_36 : memref<3128x40xf32, #tpu.memory_space<vmem_shared>>) dst(%dma_wait3A_34 : memref<3128x40xf32, #tpu.memory_space<hbm>>)
          tpu.yield
        }) : () -> ()
      } else {
      }
      %eq3A_22 = arith.constant 15 : i32
      %eq3A_23 = arith.cmpi eq, %arg1, %eq3A_22 : i32
      %convert_element_type3A_24 = arith.extui %eq3A_23 : i1 to i32
      %cond3A_25 = arith.constant 0 : i32
      %cond3A_26 = arith.cmpi ne, %convert_element_type3A_24, %cond3A_25 : i32
      scf.if %cond3A_26 {
        "tpu.region"() ({
          %run_scoped3A = tpu.sem_alloc : memref<!tpu.dma_semaphore, #tpu.memory_space<semaphore_mem>>
          %dma_start3A = arith.constant 46920 : i32
          %dma_start3A_27 = arith.constant 0 : i32
          %dma_start3A_28 = tpu.memref_slice %arg6[%dma_start3A, %dma_start3A_27] : memref<50000x40xf32, #tpu.memory_space<hbm>> -> memref<3080x40xf32, #tpu.memory_space<hbm>>
          %dma_start3A_29 = arith.constant 46920 : i32
          %dma_start3A_30 = arith.constant 0 : i32
          %dma_start3A_31 = tpu.memref_slice %arg11[%dma_start3A_29, %dma_start3A_30] : memref<50048x40xf32, #tpu.memory_space<vmem_shared>> -> memref<3080x40xf32, #tpu.memory_space<vmem_shared>>
          tpu.enqueue_dma source(%dma_start3A_31 : memref<3080x40xf32, #tpu.memory_space<vmem_shared>>) target(%dma_start3A_28 : memref<3080x40xf32, #tpu.memory_space<hbm>>) target_semaphore(%run_scoped3A : memref<!tpu.dma_semaphore, #tpu.memory_space<semaphore_mem>>)
          %dma_wait3A = arith.constant 46920 : i32
          %dma_wait3A_32 = arith.constant 0 : i32
          %dma_wait3A_33 = tpu.memref_slice %arg6[%dma_wait3A, %dma_wait3A_32] : memref<50000x40xf32, #tpu.memory_space<hbm>> -> memref<3080x40xf32, #tpu.memory_space<hbm>>
          %dma_wait3A_34 = arith.constant 46920 : i32
          %dma_wait3A_35 = arith.constant 0 : i32
          %dma_wait3A_36 = tpu.memref_slice %arg11[%dma_wait3A_34, %dma_wait3A_35] : memref<50048x40xf32, #tpu.memory_space<vmem_shared>> -> memref<3080x40xf32, #tpu.memory_space<vmem_shared>>
          tpu.wait_dma2 semaphore(%run_scoped3A : memref<!tpu.dma_semaphore, #tpu.memory_space<semaphore_mem>>) src(%dma_wait3A_36 : memref<3080x40xf32, #tpu.memory_space<vmem_shared>>) dst(%dma_wait3A_33 : memref<3080x40xf32, #tpu.memory_space<hbm>>)
          tpu.yield
        }) : () -> ()
      } else {
      }
    } else {
    }
    %eq3A_4 = arith.constant 1 : i32
    %eq3A_5 = arith.cmpi eq, %arg0, %eq3A_4 : i32
    %convert_element_type3A_6 = arith.extui %eq3A_5 : i1 to i32
    %cond3A_7 = arith.constant 0 : i32
    %cond3A_8 = arith.constant 1 : i32
    %cond3A_9 = arith.constant 0 : i32
    %cond3A_10 = arith.cmpi ne, %convert_element_type3A_6, %cond3A_9 : i32
    scf.if %cond3A_10 {
      %mul3A = arith.constant 3128 : i32
      %mul3A_11 = arith.muli %arg1, %mul3A : i32
      "tpu.region"() ({
        %run_scoped3A = tpu.sem_alloc : memref<!tpu.dma_semaphore, #tpu.memory_space<semaphore_mem>>
        %dma_start3A = arith.constant 0 : i32
        %dma_start3A_27 = tpu.memref_slice %arg11[%mul3A_11, %dma_start3A] : memref<50048x40xf32, #tpu.memory_space<vmem_shared>> -> memref<3128x40xf32, #tpu.memory_space<vmem_shared>>
        tpu.enqueue_dma source(%arg5 : memref<3128x40xf32, #tpu.memory_space<hbm>>) target(%dma_start3A_27 : memref<3128x40xf32, #tpu.memory_space<vmem_shared>>) target_semaphore(%run_scoped3A : memref<!tpu.dma_semaphore, #tpu.memory_space<semaphore_mem>>)
        %dma_wait3A = arith.constant 0 : i32
        %dma_wait3A_28 = tpu.memref_slice %arg11[%mul3A_11, %dma_wait3A] : memref<50048x40xf32, #tpu.memory_space<vmem_shared>> -> memref<3128x40xf32, #tpu.memory_space<vmem_shared>>
        tpu.wait_dma2 semaphore(%run_scoped3A : memref<!tpu.dma_semaphore, #tpu.memory_space<semaphore_mem>>) src(%arg5 : memref<3128x40xf32, #tpu.memory_space<hbm>>) dst(%dma_wait3A_28 : memref<3128x40xf32, #tpu.memory_space<vmem_shared>>)
        tpu.yield
      }) : () -> ()
      %barrier3A = arith.constant 0 : index
      tpu.barrier barrier_id(%barrier3A)
      %scan3A = arith.constant 0 : i32
      %scan3A_12 = arith.constant 0 : i32
      %scan3A_13 = arith.constant 391 : i32
      %scan3A_14 = arith.addi %scan3A_12, %scan3A_13 : i32
      %scan3A_15 = arith.constant 1 : i32
      scf.for %scan3A_27 = %scan3A_12 to %scan3A_14 step %scan3A_15  : i32 {
        %mul3A_28 = arith.constant 16 : i32
        %mul3A_29 = arith.muli %scan3A_27, %mul3A_28 : i32
        %add3A = arith.addi %mul3A_29, %arg1 : i32
        %lt3A_30 = arith.constant 6250 : i32
        %lt3A_31 = arith.cmpi slt, %add3A, %lt3A_30 : i32
        %convert_element_type3A_32 = arith.extui %lt3A_31 : i1 to i32
        %cond3A_33 = arith.constant 0 : i32
        %cond3A_34 = arith.cmpi ne, %convert_element_type3A_32, %cond3A_33 : i32
        scf.if %cond3A_34 {
          %mul3A_35 = arith.constant 128 : i32
          %mul3A_36 = arith.muli %add3A, %mul3A_35 : i32
          %multiple_of3A = tpu.assume_multiple %mul3A_36, 128 : i32
          %run_scoped3A = arith.constant 0 : i32
          "tpu.region"() ({
            %run_scoped3A_51 = tpu.sem_alloc : memref<!tpu.dma_semaphore, #tpu.memory_space<semaphore_mem>>
            %dma_start3A_52 = arith.constant 0 : i32
            %dma_start3A_53 = tpu.memref_slice %arg8[%run_scoped3A, %dma_start3A_52] : memref<1x128xi32, #tpu.memory_space<vmem>> -> memref<1x128xi32, #tpu.memory_space<vmem>>
            %dma_start3A_54 = tpu.memref_squeeze %dma_start3A_53 : memref<1x128xi32, #tpu.memory_space<vmem>> -> memref<128xi32, #tpu.memory_space<vmem>>
            %dma_start3A_55 = arith.constant 0 : i32
            %dma_start3A_56 = tpu.memref_slice %arg2[%cond3A_7, %dma_start3A_55] : memref<2x800000xi32, #tpu.memory_space<hbm>> -> memref<1x800000xi32, #tpu.memory_space<hbm>>
            %dma_start3A_57 = tpu.memref_squeeze %dma_start3A_56 : memref<1x800000xi32, #tpu.memory_space<hbm>> -> memref<800000xi32, #tpu.memory_space<hbm>>
            %dma_start3A_58 = tpu.memref_slice %dma_start3A_57[%multiple_of3A] : memref<800000xi32, #tpu.memory_space<hbm>> -> memref<128xi32, #tpu.memory_space<hbm>>
            %dma_start3A_59 = arith.constant 0 : i32
            %dma_start3A_60 = tpu.memref_slice %arg8[%run_scoped3A, %dma_start3A_59] : memref<1x128xi32, #tpu.memory_space<vmem>> -> memref<1x128xi32, #tpu.memory_space<vmem>>
            %dma_start3A_61 = tpu.memref_squeeze %dma_start3A_60 : memref<1x128xi32, #tpu.memory_space<vmem>> -> memref<128xi32, #tpu.memory_space<vmem>>
            %dma_start3A_62 = arith.constant 0 : i32
            %dma_start3A_63 = tpu.memref_slice %arg2[%cond3A_7, %dma_start3A_62] : memref<2x800000xi32, #tpu.memory_space<hbm>> -> memref<1x800000xi32, #tpu.memory_space<hbm>>
            %dma_start3A_64 = tpu.memref_squeeze %dma_start3A_63 : memref<1x800000xi32, #tpu.memory_space<hbm>> -> memref<800000xi32, #tpu.memory_space<hbm>>
            %dma_start3A_65 = tpu.memref_slice %dma_start3A_64[%multiple_of3A] : memref<800000xi32, #tpu.memory_space<hbm>> -> memref<128xi32, #tpu.memory_space<hbm>>
            tpu.enqueue_dma source(%dma_start3A_65 : memref<128xi32, #tpu.memory_space<hbm>>) target(%dma_start3A_61 : memref<128xi32, #tpu.memory_space<vmem>>) target_semaphore(%run_scoped3A_51 : memref<!tpu.dma_semaphore, #tpu.memory_space<semaphore_mem>>)
            %dma_wait3A_66 = arith.constant 0 : i32
            %dma_wait3A_67 = tpu.memref_slice %arg8[%run_scoped3A, %dma_wait3A_66] : memref<1x128xi32, #tpu.memory_space<vmem>> -> memref<1x128xi32, #tpu.memory_space<vmem>>
            %dma_wait3A_68 = tpu.memref_squeeze %dma_wait3A_67 : memref<1x128xi32, #tpu.memory_space<vmem>> -> memref<128xi32, #tpu.memory_space<vmem>>
            %dma_wait3A_69 = arith.constant 0 : i32
            %dma_wait3A_70 = tpu.memref_slice %arg2[%cond3A_7, %dma_wait3A_69] : memref<2x800000xi32, #tpu.memory_space<hbm>> -> memref<1x800000xi32, #tpu.memory_space<hbm>>
            %dma_wait3A_71 = tpu.memref_squeeze %dma_wait3A_70 : memref<1x800000xi32, #tpu.memory_space<hbm>> -> memref<800000xi32, #tpu.memory_space<hbm>>
            %dma_wait3A_72 = tpu.memref_slice %dma_wait3A_71[%multiple_of3A] : memref<800000xi32, #tpu.memory_space<hbm>> -> memref<128xi32, #tpu.memory_space<hbm>>
            %dma_wait3A_73 = arith.constant 0 : i32
            %dma_wait3A_74 = tpu.memref_slice %arg8[%run_scoped3A, %dma_wait3A_73] : memref<1x128xi32, #tpu.memory_space<vmem>> -> memref<1x128xi32, #tpu.memory_space<vmem>>
            %dma_wait3A_75 = tpu.memref_squeeze %dma_wait3A_74 : memref<1x128xi32, #tpu.memory_space<vmem>> -> memref<128xi32, #tpu.memory_space<vmem>>
            %dma_wait3A_76 = arith.constant 0 : i32
            %dma_wait3A_77 = tpu.memref_slice %arg2[%cond3A_7, %dma_wait3A_76] : memref<2x800000xi32, #tpu.memory_space<hbm>> -> memref<1x800000xi32, #tpu.memory_space<hbm>>
            %dma_wait3A_78 = tpu.memref_squeeze %dma_wait3A_77 : memref<1x800000xi32, #tpu.memory_space<hbm>> -> memref<800000xi32, #tpu.memory_space<hbm>>
            %dma_wait3A_79 = tpu.memref_slice %dma_wait3A_78[%multiple_of3A] : memref<800000xi32, #tpu.memory_space<hbm>> -> memref<128xi32, #tpu.memory_space<hbm>>
            tpu.wait_dma2 semaphore(%run_scoped3A_51 : memref<!tpu.dma_semaphore, #tpu.memory_space<semaphore_mem>>) src(%dma_wait3A_79 : memref<128xi32, #tpu.memory_space<hbm>>) dst(%dma_wait3A_75 : memref<128xi32, #tpu.memory_space<vmem>>)
            tpu.yield
          }) : () -> ()
          %run_scoped3A_37 = arith.constant 0 : i32
          "tpu.region"() ({
            %run_scoped3A_51 = tpu.sem_alloc : memref<!tpu.dma_semaphore, #tpu.memory_space<semaphore_mem>>
            %dma_start3A_52 = arith.constant 0 : i32
            %dma_start3A_53 = tpu.memref_slice %arg9[%run_scoped3A_37, %dma_start3A_52] : memref<1x128xi32, #tpu.memory_space<vmem>> -> memref<1x128xi32, #tpu.memory_space<vmem>>
            %dma_start3A_54 = tpu.memref_squeeze %dma_start3A_53 : memref<1x128xi32, #tpu.memory_space<vmem>> -> memref<128xi32, #tpu.memory_space<vmem>>
            %dma_start3A_55 = arith.constant 0 : i32
            %dma_start3A_56 = tpu.memref_slice %arg2[%cond3A_8, %dma_start3A_55] : memref<2x800000xi32, #tpu.memory_space<hbm>> -> memref<1x800000xi32, #tpu.memory_space<hbm>>
            %dma_start3A_57 = tpu.memref_squeeze %dma_start3A_56 : memref<1x800000xi32, #tpu.memory_space<hbm>> -> memref<800000xi32, #tpu.memory_space<hbm>>
            %dma_start3A_58 = tpu.memref_slice %dma_start3A_57[%multiple_of3A] : memref<800000xi32, #tpu.memory_space<hbm>> -> memref<128xi32, #tpu.memory_space<hbm>>
            %dma_start3A_59 = arith.constant 0 : i32
            %dma_start3A_60 = tpu.memref_slice %arg9[%run_scoped3A_37, %dma_start3A_59] : memref<1x128xi32, #tpu.memory_space<vmem>> -> memref<1x128xi32, #tpu.memory_space<vmem>>
            %dma_start3A_61 = tpu.memref_squeeze %dma_start3A_60 : memref<1x128xi32, #tpu.memory_space<vmem>> -> memref<128xi32, #tpu.memory_space<vmem>>
            %dma_start3A_62 = arith.constant 0 : i32
            %dma_start3A_63 = tpu.memref_slice %arg2[%cond3A_8, %dma_start3A_62] : memref<2x800000xi32, #tpu.memory_space<hbm>> -> memref<1x800000xi32, #tpu.memory_space<hbm>>
            %dma_start3A_64 = tpu.memref_squeeze %dma_start3A_63 : memref<1x800000xi32, #tpu.memory_space<hbm>> -> memref<800000xi32, #tpu.memory_space<hbm>>
            %dma_start3A_65 = tpu.memref_slice %dma_start3A_64[%multiple_of3A] : memref<800000xi32, #tpu.memory_space<hbm>> -> memref<128xi32, #tpu.memory_space<hbm>>
            tpu.enqueue_dma source(%dma_start3A_65 : memref<128xi32, #tpu.memory_space<hbm>>) target(%dma_start3A_61 : memref<128xi32, #tpu.memory_space<vmem>>) target_semaphore(%run_scoped3A_51 : memref<!tpu.dma_semaphore, #tpu.memory_space<semaphore_mem>>)
            %dma_wait3A_66 = arith.constant 0 : i32
            %dma_wait3A_67 = tpu.memref_slice %arg9[%run_scoped3A_37, %dma_wait3A_66] : memref<1x128xi32, #tpu.memory_space<vmem>> -> memref<1x128xi32, #tpu.memory_space<vmem>>
            %dma_wait3A_68 = tpu.memref_squeeze %dma_wait3A_67 : memref<1x128xi32, #tpu.memory_space<vmem>> -> memref<128xi32, #tpu.memory_space<vmem>>
            %dma_wait3A_69 = arith.constant 0 : i32
            %dma_wait3A_70 = tpu.memref_slice %arg2[%cond3A_8, %dma_wait3A_69] : memref<2x800000xi32, #tpu.memory_space<hbm>> -> memref<1x800000xi32, #tpu.memory_space<hbm>>
            %dma_wait3A_71 = tpu.memref_squeeze %dma_wait3A_70 : memref<1x800000xi32, #tpu.memory_space<hbm>> -> memref<800000xi32, #tpu.memory_space<hbm>>
            %dma_wait3A_72 = tpu.memref_slice %dma_wait3A_71[%multiple_of3A] : memref<800000xi32, #tpu.memory_space<hbm>> -> memref<128xi32, #tpu.memory_space<hbm>>
            %dma_wait3A_73 = arith.constant 0 : i32
            %dma_wait3A_74 = tpu.memref_slice %arg9[%run_scoped3A_37, %dma_wait3A_73] : memref<1x128xi32, #tpu.memory_space<vmem>> -> memref<1x128xi32, #tpu.memory_space<vmem>>
            %dma_wait3A_75 = tpu.memref_squeeze %dma_wait3A_74 : memref<1x128xi32, #tpu.memory_space<vmem>> -> memref<128xi32, #tpu.memory_space<vmem>>
            %dma_wait3A_76 = arith.constant 0 : i32
            %dma_wait3A_77 = tpu.memref_slice %arg2[%cond3A_8, %dma_wait3A_76] : memref<2x800000xi32, #tpu.memory_space<hbm>> -> memref<1x800000xi32, #tpu.memory_space<hbm>>
            %dma_wait3A_78 = tpu.memref_squeeze %dma_wait3A_77 : memref<1x800000xi32, #tpu.memory_space<hbm>> -> memref<800000xi32, #tpu.memory_space<hbm>>
            %dma_wait3A_79 = tpu.memref_slice %dma_wait3A_78[%multiple_of3A] : memref<800000xi32, #tpu.memory_space<hbm>> -> memref<128xi32, #tpu.memory_space<hbm>>
            tpu.wait_dma2 semaphore(%run_scoped3A_51 : memref<!tpu.dma_semaphore, #tpu.memory_space<semaphore_mem>>) src(%dma_wait3A_79 : memref<128xi32, #tpu.memory_space<hbm>>) dst(%dma_wait3A_75 : memref<128xi32, #tpu.memory_space<vmem>>)
            tpu.yield
          }) : () -> ()
          %dma_start3A = arith.constant 0 : i32
          %dma_start3A_38 = arith.constant 0 : i32
          %dma_start3A_39 = tpu.memref_slice %arg8[%dma_start3A, %dma_start3A_38] : memref<1x128xi32, #tpu.memory_space<vmem>> -> memref<1x128xi32, #tpu.memory_space<vmem>>
          %dma_start3A_40 = tpu.memref_squeeze %dma_start3A_39 : memref<1x128xi32, #tpu.memory_space<vmem>> -> memref<128xi32, #tpu.memory_space<vmem>>
          %dma_start3A_41 = arith.constant 0 : i32
          %dma_start3A_42 = arith.constant 0 : i32
          %dma_start3A_43 = tpu.memref_slice %arg4[%dma_start3A_41, %dma_start3A_42] : memref<50000x40xf32, #tpu.memory_space<hbm>> -> memref<50000x40xf32, #tpu.memory_space<hbm>>
          tpu.enqueue_indirect_dma source(%dma_start3A_43 : memref<50000x40xf32, #tpu.memory_space<hbm>>) target(%arg10 : memref<128x40xf32, #tpu.memory_space<vmem>>) offsets(%dma_start3A_40 : memref<128xi32, #tpu.memory_space<vmem>>) semaphore(%arg12 : memref<!tpu.dma_semaphore, #tpu.memory_space<semaphore_mem>>)
          %dma_wait3A = arith.constant 0 : i32
          %dma_wait3A_44 = arith.constant 0 : i32
          %dma_wait3A_45 = tpu.memref_slice %arg8[%dma_wait3A, %dma_wait3A_44] : memref<1x128xi32, #tpu.memory_space<vmem>> -> memref<1x128xi32, #tpu.memory_space<vmem>>
          %dma_wait3A_46 = tpu.memref_squeeze %dma_wait3A_45 : memref<1x128xi32, #tpu.memory_space<vmem>> -> memref<128xi32, #tpu.memory_space<vmem>>
          %dma_wait3A_47 = arith.constant 0 : i32
          %dma_wait3A_48 = arith.constant 0 : i32
          %dma_wait3A_49 = tpu.memref_slice %arg4[%dma_wait3A_47, %dma_wait3A_48] : memref<50000x40xf32, #tpu.memory_space<hbm>> -> memref<50000x40xf32, #tpu.memory_space<hbm>>
          tpu.wait_indirect_dma semaphore(%arg12 : memref<!tpu.dma_semaphore, #tpu.memory_space<semaphore_mem>>) src(%dma_wait3A_49 : memref<50000x40xf32, #tpu.memory_space<hbm>>) dst(%arg10 : memref<128x40xf32, #tpu.memory_space<vmem>>)
          %run_scoped3A_50 = arith.constant 0 : i32
          "tpu.region"() ({
            %run_scoped3A_51 = tpu.sem_alloc : memref<!tpu.dma_semaphore, #tpu.memory_space<semaphore_mem>>
            %dma_start3A_52 = arith.constant 0 : i32
            %dma_start3A_53 = tpu.memref_slice %arg9[%run_scoped3A_50, %dma_start3A_52] : memref<1x128xi32, #tpu.memory_space<vmem>> -> memref<1x128xi32, #tpu.memory_space<vmem>>
            %dma_start3A_54 = tpu.memref_squeeze %dma_start3A_53 : memref<1x128xi32, #tpu.memory_space<vmem>> -> memref<128xi32, #tpu.memory_space<vmem>>
            %dma_start3A_55 = arith.constant 0 : i32
            %dma_start3A_56 = arith.constant 0 : i32
            %dma_start3A_57 = tpu.memref_slice %arg11[%dma_start3A_55, %dma_start3A_56] : memref<50048x40xf32, #tpu.memory_space<vmem_shared>> -> memref<50048x40xf32, #tpu.memory_space<vmem_shared>>
            tpu.enqueue_indirect_dma source(%arg10 : memref<128x40xf32, #tpu.memory_space<vmem>>) target(%dma_start3A_57 : memref<50048x40xf32, #tpu.memory_space<vmem_shared>>) offsets(%dma_start3A_54 : memref<128xi32, #tpu.memory_space<vmem>>) semaphore(%run_scoped3A_51 : memref<!tpu.dma_semaphore, #tpu.memory_space<semaphore_mem>>) {add = true}
            %dma_wait3A_58 = arith.constant 0 : i32
            %dma_wait3A_59 = tpu.memref_slice %arg9[%run_scoped3A_50, %dma_wait3A_58] : memref<1x128xi32, #tpu.memory_space<vmem>> -> memref<1x128xi32, #tpu.memory_space<vmem>>
            %dma_wait3A_60 = tpu.memref_squeeze %dma_wait3A_59 : memref<1x128xi32, #tpu.memory_space<vmem>> -> memref<128xi32, #tpu.memory_space<vmem>>
            %dma_wait3A_61 = arith.constant 0 : i32
            %dma_wait3A_62 = arith.constant 0 : i32
            %dma_wait3A_63 = tpu.memref_slice %arg11[%dma_wait3A_61, %dma_wait3A_62] : memref<50048x40xf32, #tpu.memory_space<vmem_shared>> -> memref<50048x40xf32, #tpu.memory_space<vmem_shared>>
            tpu.wait_indirect_dma semaphore(%run_scoped3A_51 : memref<!tpu.dma_semaphore, #tpu.memory_space<semaphore_mem>>) src(%arg10 : memref<128x40xf32, #tpu.memory_space<vmem>>) dst(%dma_wait3A_63 : memref<50048x40xf32, #tpu.memory_space<vmem_shared>>)
            tpu.yield
          }) : () -> ()
        } else {
        }
      }
      %scan3A_16 = arith.constant 391 : i32
      %barrier3A_17 = arith.constant 0 : index
      tpu.barrier barrier_id(%barrier3A_17)
      %lt3A = arith.constant 15 : i32
      %lt3A_18 = arith.cmpi slt, %arg1, %lt3A : i32
      %convert_element_type3A_19 = arith.extui %lt3A_18 : i1 to i32
      %cond3A_20 = arith.constant 0 : i32
      %cond3A_21 = arith.cmpi ne, %convert_element_type3A_19, %cond3A_20 : i32
      scf.if %cond3A_21 {
        %mul3A_27 = arith.constant 3128 : i32
        %mul3A_28 = arith.muli %arg1, %mul3A_27 : i32
        %mul3A_29 = arith.constant 3128 : i32
        %mul3A_30 = arith.muli %arg1, %mul3A_29 : i32
        "tpu.region"() ({
          %run_scoped3A = tpu.sem_alloc : memref<!tpu.dma_semaphore, #tpu.memory_space<semaphore_mem>>
          %dma_start3A = arith.constant 0 : i32
          %dma_start3A_31 = tpu.memref_slice %arg7[%mul3A_30, %dma_start3A] : memref<50000x40xf32, #tpu.memory_space<hbm>> -> memref<3128x40xf32, #tpu.memory_space<hbm>>
          %dma_start3A_32 = arith.constant 0 : i32
          %dma_start3A_33 = tpu.memref_slice %arg11[%mul3A_28, %dma_start3A_32] : memref<50048x40xf32, #tpu.memory_space<vmem_shared>> -> memref<3128x40xf32, #tpu.memory_space<vmem_shared>>
          tpu.enqueue_dma source(%dma_start3A_33 : memref<3128x40xf32, #tpu.memory_space<vmem_shared>>) target(%dma_start3A_31 : memref<3128x40xf32, #tpu.memory_space<hbm>>) target_semaphore(%run_scoped3A : memref<!tpu.dma_semaphore, #tpu.memory_space<semaphore_mem>>)
          %dma_wait3A = arith.constant 0 : i32
          %dma_wait3A_34 = tpu.memref_slice %arg7[%mul3A_30, %dma_wait3A] : memref<50000x40xf32, #tpu.memory_space<hbm>> -> memref<3128x40xf32, #tpu.memory_space<hbm>>
          %dma_wait3A_35 = arith.constant 0 : i32
          %dma_wait3A_36 = tpu.memref_slice %arg11[%mul3A_28, %dma_wait3A_35] : memref<50048x40xf32, #tpu.memory_space<vmem_shared>> -> memref<3128x40xf32, #tpu.memory_space<vmem_shared>>
          tpu.wait_dma2 semaphore(%run_scoped3A : memref<!tpu.dma_semaphore, #tpu.memory_space<semaphore_mem>>) src(%dma_wait3A_36 : memref<3128x40xf32, #tpu.memory_space<vmem_shared>>) dst(%dma_wait3A_34 : memref<3128x40xf32, #tpu.memory_space<hbm>>)
          tpu.yield
        }) : () -> ()
      } else {
      }
      %eq3A_22 = arith.constant 15 : i32
      %eq3A_23 = arith.cmpi eq, %arg1, %eq3A_22 : i32
      %convert_element_type3A_24 = arith.extui %eq3A_23 : i1 to i32
      %cond3A_25 = arith.constant 0 : i32
      %cond3A_26 = arith.cmpi ne, %convert_element_type3A_24, %cond3A_25 : i32
      scf.if %cond3A_26 {
        "tpu.region"() ({
          %run_scoped3A = tpu.sem_alloc : memref<!tpu.dma_semaphore, #tpu.memory_space<semaphore_mem>>
          %dma_start3A = arith.constant 46920 : i32
          %dma_start3A_27 = arith.constant 0 : i32
          %dma_start3A_28 = tpu.memref_slice %arg7[%dma_start3A, %dma_start3A_27] : memref<50000x40xf32, #tpu.memory_space<hbm>> -> memref<3080x40xf32, #tpu.memory_space<hbm>>
          %dma_start3A_29 = arith.constant 46920 : i32
          %dma_start3A_30 = arith.constant 0 : i32
          %dma_start3A_31 = tpu.memref_slice %arg11[%dma_start3A_29, %dma_start3A_30] : memref<50048x40xf32, #tpu.memory_space<vmem_shared>> -> memref<3080x40xf32, #tpu.memory_space<vmem_shared>>
          tpu.enqueue_dma source(%dma_start3A_31 : memref<3080x40xf32, #tpu.memory_space<vmem_shared>>) target(%dma_start3A_28 : memref<3080x40xf32, #tpu.memory_space<hbm>>) target_semaphore(%run_scoped3A : memref<!tpu.dma_semaphore, #tpu.memory_space<semaphore_mem>>)
          %dma_wait3A = arith.constant 46920 : i32
          %dma_wait3A_32 = arith.constant 0 : i32
          %dma_wait3A_33 = tpu.memref_slice %arg7[%dma_wait3A, %dma_wait3A_32] : memref<50000x40xf32, #tpu.memory_space<hbm>> -> memref<3080x40xf32, #tpu.memory_space<hbm>>
          %dma_wait3A_34 = arith.constant 46920 : i32
          %dma_wait3A_35 = arith.constant 0 : i32
          %dma_wait3A_36 = tpu.memref_slice %arg11[%dma_wait3A_34, %dma_wait3A_35] : memref<50048x40xf32, #tpu.memory_space<vmem_shared>> -> memref<3080x40xf32, #tpu.memory_space<vmem_shared>>
          tpu.wait_dma2 semaphore(%run_scoped3A : memref<!tpu.dma_semaphore, #tpu.memory_space<semaphore_mem>>) src(%dma_wait3A_36 : memref<3080x40xf32, #tpu.memory_space<vmem_shared>>) dst(%dma_wait3A_33 : memref<3080x40xf32, #tpu.memory_space<hbm>>)
          tpu.yield
        }) : () -> ()
      } else {
      }
    } else {
    }
    return
  }
}

module attributes {stable_mosaic.version = 14 : i64} {
  func.func @_pre_body(%arg0: i32, %arg1: memref<400x3xf32, #tpu.memory_space<vmem>>, %arg2: memref<400x96xbf16, #tpu.memory_space<vmem>>, %arg3: memref<400x96xbf16, #tpu.memory_space<vmem>>, %arg4: memref<400x96xbf16, #tpu.memory_space<vmem>>, %arg5: memref<400x96xbf16, #tpu.memory_space<vmem>>, %arg6: memref<400x96xbf16, #tpu.memory_space<vmem>>, %arg7: memref<288x288xbf16, #tpu.memory_space<vmem>>, %arg8: memref<1x288xf32, #tpu.memory_space<vmem>>, %arg9: memref<864x32xbf16, #tpu.memory_space<vmem>>, %arg10: memref<1xf32, #tpu.memory_space<smem>>, %arg11: memref<40x64xf32, #tpu.memory_space<vmem>>, %arg12: memref<1x64xf32, #tpu.memory_space<vmem>>, %arg13: memref<64x1xf32, #tpu.memory_space<vmem>>, %arg14: memref<1xf32, #tpu.memory_space<smem>>, %arg15: memref<400x40xf32, #tpu.memory_space<vmem>>, %arg16: memref<400x40xf32, #tpu.memory_space<vmem>>, %arg17: memref<400x1xf32, #tpu.memory_space<vmem>>) attributes {dimension_semantics = [#tpu.dimension_semantics<arbitrary>], iteration_bounds = array<i64: 125>, scalar_prefetch = 0 : i64, scratch_operands = 0 : i64, tpu.core_type = #tpu.core_type<tc>, window_params = [{transform_indices = @transform_0, window_bounds = array<i64: 400, 3>}, {transform_indices = @transform_1, window_bounds = array<i64: 400, 96>}, {transform_indices = @transform_2, window_bounds = array<i64: 400, 96>}, {transform_indices = @transform_3, window_bounds = array<i64: 400, 96>}, {transform_indices = @transform_4, window_bounds = array<i64: 400, 96>}, {transform_indices = @transform_5, window_bounds = array<i64: 400, 96>}, {pipeline_mode = #tpu.pipeline_mode<synchronous>, transform_indices = @transform_6, window_bounds = array<i64: 288, 288>}, {pipeline_mode = #tpu.pipeline_mode<synchronous>, transform_indices = @transform_7, window_bounds = array<i64: 1, 288>}, {pipeline_mode = #tpu.pipeline_mode<synchronous>, transform_indices = @transform_8, window_bounds = array<i64: 864, 32>}, {transform_indices = @transform_9, window_bounds = array<i64: 1>}, {pipeline_mode = #tpu.pipeline_mode<synchronous>, transform_indices = @transform_10, window_bounds = array<i64: 40, 64>}, {pipeline_mode = #tpu.pipeline_mode<synchronous>, transform_indices = @transform_11, window_bounds = array<i64: 1, 64>}, {pipeline_mode = #tpu.pipeline_mode<synchronous>, transform_indices = @transform_12, window_bounds = array<i64: 64, 1>}, {transform_indices = @transform_13, window_bounds = array<i64: 1>}, {transform_indices = @transform_14, window_bounds = array<i64: 400, 40>}, {transform_indices = @transform_15, window_bounds = array<i64: 400, 40>}, {transform_indices = @transform_16, window_bounds = array<i64: 400, 1>}]} {
    %get3A = arith.constant 0 : index
    %get3A_0 = arith.constant 0 : index
    %get3A_1 = vector.load %arg2[%get3A, %get3A_0] : memref<400x96xbf16, #tpu.memory_space<vmem>>, vector<400x96xbf16>
    %get3A_2 = arith.constant 0 : index
    %get3A_3 = arith.constant 0 : index
    %get3A_4 = vector.load %arg3[%get3A_2, %get3A_3] : memref<400x96xbf16, #tpu.memory_space<vmem>>, vector<400x96xbf16>
    %get3A_5 = arith.constant 0 : index
    %get3A_6 = arith.constant 0 : index
    %get3A_7 = vector.load %arg4[%get3A_5, %get3A_6] : memref<400x96xbf16, #tpu.memory_space<vmem>>, vector<400x96xbf16>
    %concatenate3A = tpu.concatenate %get3A_1, %get3A_4, %get3A_7 in 1 : vector<400x96xbf16>, vector<400x96xbf16>, vector<400x96xbf16> -> vector<400x288xbf16>
    %get3A_8 = arith.constant 0 : index
    %get3A_9 = arith.constant 0 : index
    %get3A_10 = vector.load %arg4[%get3A_8, %get3A_9] : memref<400x96xbf16, #tpu.memory_space<vmem>>, vector<400x96xbf16>
    %get3A_11 = arith.constant 0 : index
    %get3A_12 = arith.constant 0 : index
    %get3A_13 = vector.load %arg5[%get3A_11, %get3A_12] : memref<400x96xbf16, #tpu.memory_space<vmem>>, vector<400x96xbf16>
    %get3A_14 = arith.constant 0 : index
    %get3A_15 = arith.constant 0 : index
    %get3A_16 = vector.load %arg6[%get3A_14, %get3A_15] : memref<400x96xbf16, #tpu.memory_space<vmem>>, vector<400x96xbf16>
    %concatenate3A_17 = tpu.concatenate %get3A_10, %get3A_13, %get3A_16 in 1 : vector<400x96xbf16>, vector<400x96xbf16>, vector<400x96xbf16> -> vector<400x288xbf16>
    %get3A_18 = arith.constant 0 : index
    %get3A_19 = arith.constant 0 : index
    %get3A_20 = vector.load %arg7[%get3A_18, %get3A_19] : memref<288x288xbf16, #tpu.memory_space<vmem>>, vector<288x288xbf16>
    %dot_general3A = arith.constant dense<0.000000e+00> : vector<400x288xf32>
    %dot_general3A_21 = tpu.matmul %concatenate3A, %get3A_20, %dot_general3A {dimension_numbers = #tpu.dot_dimension_numbers<[1], [0], [0], [1], [0, 0, 1, 1], [], []>, transpose_lhs_hint = false} : vector<400x288xbf16>, vector<288x288xbf16>, vector<400x288xf32> -> vector<400x288xf32>
    %convert_element_type3A = arith.truncf %dot_general3A_21 : vector<400x288xf32> to vector<400x288xbf16>
    %dot_general3A_22 = arith.constant dense<0.000000e+00> : vector<400x288xf32>
    %dot_general3A_23 = tpu.matmul %concatenate3A_17, %get3A_20, %dot_general3A_22 {dimension_numbers = #tpu.dot_dimension_numbers<[1], [0], [0], [1], [0, 0, 1, 1], [], []>, transpose_lhs_hint = false} : vector<400x288xbf16>, vector<288x288xbf16>, vector<400x288xf32> -> vector<400x288xf32>
    %convert_element_type3A_24 = arith.truncf %dot_general3A_23 : vector<400x288xf32> to vector<400x288xbf16>
    %get3A_25 = arith.constant 0 : index
    %get3A_26 = arith.constant 0 : index
    %get3A_27 = vector.load %arg8[%get3A_25, %get3A_26] : memref<1x288xf32, #tpu.memory_space<vmem>>, vector<1x288xf32>
    %convert_element_type3A_28 = arith.extf %convert_element_type3A : vector<400x288xbf16> to vector<400x288xf32>
    %add3A = vector.broadcast %get3A_27 : vector<1x288xf32> to vector<400x288xf32>
    %add3A_29 = arith.addf %convert_element_type3A_28, %add3A : vector<400x288xf32>
    %ge3A = arith.constant 0.000000e+00 : f32
    %ge3A_30 = vector.broadcast %ge3A : f32 to vector<400x288xf32>
    %ge3A_31 = arith.cmpf oge, %add3A_29, %ge3A_30 : vector<400x288xf32>
    %mul3A = arith.constant 1.000000e-01 : f32
    %mul3A_32 = vector.broadcast %mul3A : f32 to vector<400x288xf32>
    %mul3A_33 = arith.mulf %mul3A_32, %add3A_29 : vector<400x288xf32>
    %select_n3A = arith.select %ge3A_31, %add3A_29, %mul3A_33 : vector<400x288xi1>, vector<400x288xf32>
    %convert_element_type3A_34 = arith.truncf %select_n3A : vector<400x288xf32> to vector<400x288xbf16>
    %convert_element_type3A_35 = arith.extf %convert_element_type3A_24 : vector<400x288xbf16> to vector<400x288xf32>
    %add3A_36 = vector.broadcast %get3A_27 : vector<1x288xf32> to vector<400x288xf32>
    %add3A_37 = arith.addf %convert_element_type3A_35, %add3A_36 : vector<400x288xf32>
    %ge3A_38 = arith.constant 0.000000e+00 : f32
    %ge3A_39 = vector.broadcast %ge3A_38 : f32 to vector<400x288xf32>
    %ge3A_40 = arith.cmpf oge, %add3A_37, %ge3A_39 : vector<400x288xf32>
    %mul3A_41 = arith.constant 1.000000e-01 : f32
    %mul3A_42 = vector.broadcast %mul3A_41 : f32 to vector<400x288xf32>
    %mul3A_43 = arith.mulf %mul3A_42, %add3A_37 : vector<400x288xf32>
    %select_n3A_44 = arith.select %ge3A_40, %add3A_37, %mul3A_43 : vector<400x288xi1>, vector<400x288xf32>
    %convert_element_type3A_45 = arith.truncf %select_n3A_44 : vector<400x288xf32> to vector<400x288xbf16>
    %slice3A = vector.extract_strided_slice %convert_element_type3A_34 {offsets = [0, 1], sizes = [400, 287], strides = [1, 1]} : vector<400x288xbf16> to vector<400x287xbf16>
    %broadcast_in_dim3A = arith.constant 0.000000e+00 : bf16
    %broadcast_in_dim3A_46 = vector.broadcast %broadcast_in_dim3A : bf16 to vector<400x1xbf16>
    %concatenate3A_47 = tpu.concatenate %slice3A, %broadcast_in_dim3A_46 in 1 : vector<400x287xbf16>, vector<400x1xbf16> -> vector<400x288xbf16>
    %concatenate3A_48 = tpu.concatenate %convert_element_type3A_34, %convert_element_type3A_45, %concatenate3A_47 in 1 : vector<400x288xbf16>, vector<400x288xbf16>, vector<400x288xbf16> -> vector<400x864xbf16>
    %get3A_49 = arith.constant 0 : index
    %get3A_50 = arith.constant 0 : index
    %get3A_51 = vector.load %arg9[%get3A_49, %get3A_50] : memref<864x32xbf16, #tpu.memory_space<vmem>>, vector<864x32xbf16>
    %dot_general3A_52 = arith.constant dense<0.000000e+00> : vector<400x32xf32>
    %dot_general3A_53 = tpu.matmul %concatenate3A_48, %get3A_51, %dot_general3A_52 {dimension_numbers = #tpu.dot_dimension_numbers<[1], [0], [0], [1], [0, 0, 1, 1], [], []>, transpose_lhs_hint = false} : vector<400x864xbf16>, vector<864x32xbf16>, vector<400x32xf32> -> vector<400x32xf32>
    %convert_element_type3A_54 = arith.truncf %dot_general3A_53 : vector<400x32xf32> to vector<400x32xbf16>
    %convert_element_type3A_55 = arith.extf %convert_element_type3A_54 : vector<400x32xbf16> to vector<400x32xf32>
    %get3A_56 = arith.constant 0 : index
    %get3A_57 = memref.load %arg10[%get3A_56] : memref<1xf32, #tpu.memory_space<smem>>
    %add3A_58 = vector.broadcast %get3A_57 : f32 to vector<400x32xf32>
    %add3A_59 = arith.addf %convert_element_type3A_55, %add3A_58 : vector<400x32xf32>
    %ge3A_60 = arith.constant 0.000000e+00 : f32
    %ge3A_61 = vector.broadcast %ge3A_60 : f32 to vector<400x32xf32>
    %ge3A_62 = arith.cmpf oge, %add3A_59, %ge3A_61 : vector<400x32xf32>
    %mul3A_63 = arith.constant 1.000000e-01 : f32
    %mul3A_64 = vector.broadcast %mul3A_63 : f32 to vector<400x32xf32>
    %mul3A_65 = arith.mulf %mul3A_64, %add3A_59 : vector<400x32xf32>
    %select_n3A_66 = arith.select %ge3A_62, %add3A_59, %mul3A_65 : vector<400x32xi1>, vector<400x32xf32>
    %get3A_67 = arith.constant 0 : index
    %get3A_68 = arith.constant 0 : index
    %get3A_69 = vector.load %arg1[%get3A_67, %get3A_68] : memref<400x3xf32, #tpu.memory_space<vmem>>, vector<400x3xf32>
    %slice3A_70 = vector.extract_strided_slice %select_n3A_66 {offsets = [0, 0], sizes = [400, 31], strides = [1, 1]} : vector<400x32xf32> to vector<400x31xf32>
    %broadcast_in_dim3A_71 = arith.constant 0.000000e+00 : f32
    %broadcast_in_dim3A_72 = vector.broadcast %broadcast_in_dim3A_71 : f32 to vector<400x6xf32>
    %concatenate3A_73 = tpu.concatenate %get3A_69, %slice3A_70, %broadcast_in_dim3A_72 in 1 : vector<400x3xf32>, vector<400x31xf32>, vector<400x6xf32> -> vector<400x40xf32>
    %convert_element_type3A_74 = arith.truncf %concatenate3A_73 : vector<400x40xf32> to vector<400x40xbf16>
    %get3A_75 = arith.constant 0 : index
    %get3A_76 = arith.constant 0 : index
    %get3A_77 = vector.load %arg11[%get3A_75, %get3A_76] : memref<40x64xf32, #tpu.memory_space<vmem>>, vector<40x64xf32>
    %convert_element_type3A_78 = arith.truncf %get3A_77 : vector<40x64xf32> to vector<40x64xbf16>
    %dot_general3A_79 = arith.constant dense<0.000000e+00> : vector<400x64xf32>
    %dot_general3A_80 = tpu.matmul %convert_element_type3A_74, %convert_element_type3A_78, %dot_general3A_79 {dimension_numbers = #tpu.dot_dimension_numbers<[1], [0], [0], [1], [0, 0, 1, 1], [], []>, transpose_lhs_hint = false} : vector<400x40xbf16>, vector<40x64xbf16>, vector<400x64xf32> -> vector<400x64xf32>
    %get3A_81 = arith.constant 0 : index
    %get3A_82 = arith.constant 0 : index
    %get3A_83 = vector.load %arg12[%get3A_81, %get3A_82] : memref<1x64xf32, #tpu.memory_space<vmem>>, vector<1x64xf32>
    %add3A_84 = vector.broadcast %get3A_83 : vector<1x64xf32> to vector<400x64xf32>
    %add3A_85 = arith.addf %dot_general3A_80, %add3A_84 : vector<400x64xf32>
    %ge3A_86 = arith.constant 0.000000e+00 : f32
    %ge3A_87 = vector.broadcast %ge3A_86 : f32 to vector<400x64xf32>
    %ge3A_88 = arith.cmpf oge, %add3A_85, %ge3A_87 : vector<400x64xf32>
    %mul3A_89 = arith.constant 1.000000e-01 : f32
    %mul3A_90 = vector.broadcast %mul3A_89 : f32 to vector<400x64xf32>
    %mul3A_91 = arith.mulf %mul3A_90, %add3A_85 : vector<400x64xf32>
    %select_n3A_92 = arith.select %ge3A_88, %add3A_85, %mul3A_91 : vector<400x64xi1>, vector<400x64xf32>
    %convert_element_type3A_93 = arith.truncf %select_n3A_92 : vector<400x64xf32> to vector<400x64xbf16>
    %get3A_94 = arith.constant 0 : index
    %get3A_95 = arith.constant 0 : index
    %get3A_96 = vector.load %arg13[%get3A_94, %get3A_95] : memref<64x1xf32, #tpu.memory_space<vmem>>, vector<64x1xf32>
    %convert_element_type3A_97 = arith.truncf %get3A_96 : vector<64x1xf32> to vector<64x1xbf16>
    %dot_general3A_98 = arith.constant dense<0.000000e+00> : vector<400x1xf32>
    %dot_general3A_99 = tpu.matmul %convert_element_type3A_93, %convert_element_type3A_97, %dot_general3A_98 {dimension_numbers = #tpu.dot_dimension_numbers<[1], [0], [0], [1], [0, 0, 1, 1], [], []>, transpose_lhs_hint = false} : vector<400x64xbf16>, vector<64x1xbf16>, vector<400x1xf32> -> vector<400x1xf32>
    %get3A_100 = arith.constant 0 : index
    %get3A_101 = memref.load %arg14[%get3A_100] : memref<1xf32, #tpu.memory_space<smem>>
    %add3A_102 = vector.broadcast %get3A_101 : f32 to vector<400x1xf32>
    %add3A_103 = arith.addf %dot_general3A_99, %add3A_102 : vector<400x1xf32>
    %swap3A = arith.constant 0 : index
    %swap3A_104 = arith.constant 0 : index
    %swap3A_105 = vector.load %arg15[%swap3A, %swap3A_104] : memref<400x40xf32, #tpu.memory_space<vmem>>, vector<400x40xf32>
    tpu.vector_store %arg15[%swap3A, %swap3A_104], %concatenate3A_73 {strides = array<i32>} : memref<400x40xf32, #tpu.memory_space<vmem>>, vector<400x40xf32>,
    %mul3A_106 = vector.broadcast %add3A_103 : vector<400x1xf32> to vector<400x40xf32>
    %mul3A_107 = arith.mulf %concatenate3A_73, %mul3A_106 : vector<400x40xf32>
    %swap3A_108 = arith.constant 0 : index
    %swap3A_109 = arith.constant 0 : index
    %swap3A_110 = vector.load %arg16[%swap3A_108, %swap3A_109] : memref<400x40xf32, #tpu.memory_space<vmem>>, vector<400x40xf32>
    tpu.vector_store %arg16[%swap3A_108, %swap3A_109], %mul3A_107 {strides = array<i32>} : memref<400x40xf32, #tpu.memory_space<vmem>>, vector<400x40xf32>,
    %swap3A_111 = arith.constant 0 : index
    %swap3A_112 = arith.constant 0 : index
    %swap3A_113 = vector.load %arg17[%swap3A_111, %swap3A_112] : memref<400x1xf32, #tpu.memory_space<vmem>>, vector<400x1xf32>
    tpu.vector_store %arg17[%swap3A_111, %swap3A_112], %add3A_103 {strides = array<i32>} : memref<400x1xf32, #tpu.memory_space<vmem>>, vector<400x1xf32>,
    return
  }
  func.func @transform_0(%arg0: i32) -> (i32, i32) {
    %c0_i32 = arith.constant 0 : i32
    %c0_i32_0 = arith.constant 0 : i32
    return %arg0, %c0_i32 : i32, i32
  }
  func.func @transform_1(%arg0: i32) -> (i32, i32) {
    %c0_i32 = arith.constant 0 : i32
    %c0_i32_0 = arith.constant 0 : i32
    return %arg0, %c0_i32 : i32, i32
  }
  func.func @transform_2(%arg0: i32) -> (i32, i32) {
    %c0_i32 = arith.constant 0 : i32
    %c0_i32_0 = arith.constant 0 : i32
    return %arg0, %c0_i32 : i32, i32
  }
  func.func @transform_3(%arg0: i32) -> (i32, i32) {
    %c0_i32 = arith.constant 0 : i32
    %c0_i32_0 = arith.constant 0 : i32
    return %arg0, %c0_i32 : i32, i32
  }
  func.func @transform_4(%arg0: i32) -> (i32, i32) {
    %c0_i32 = arith.constant 0 : i32
    %c0_i32_0 = arith.constant 0 : i32
    return %arg0, %c0_i32 : i32, i32
  }
  func.func @transform_5(%arg0: i32) -> (i32, i32) {
    %c0_i32 = arith.constant 0 : i32
    %c0_i32_0 = arith.constant 0 : i32
    return %arg0, %c0_i32 : i32, i32
  }
  func.func @transform_6(%arg0: i32) -> (i32, i32) {
    %c0_i32 = arith.constant 0 : i32
    %c0_i32_0 = arith.constant 0 : i32
    %c0_i32_1 = arith.constant 0 : i32
    return %c0_i32, %c0_i32_0 : i32, i32
  }
  func.func @transform_7(%arg0: i32) -> (i32, i32) {
    %c0_i32 = arith.constant 0 : i32
    %c0_i32_0 = arith.constant 0 : i32
    %c0_i32_1 = arith.constant 0 : i32
    return %c0_i32, %c0_i32_0 : i32, i32
  }
  func.func @transform_8(%arg0: i32) -> (i32, i32) {
    %c0_i32 = arith.constant 0 : i32
    %c0_i32_0 = arith.constant 0 : i32
    %c0_i32_1 = arith.constant 0 : i32
    return %c0_i32, %c0_i32_0 : i32, i32
  }
  func.func @transform_9(%arg0: i32) -> i32 {
    %c0_i32 = arith.constant 0 : i32
    %c0_i32_0 = arith.constant 0 : i32
    return %c0_i32 : i32
  }
  func.func @transform_10(%arg0: i32) -> (i32, i32) {
    %c0_i32 = arith.constant 0 : i32
    %c0_i32_0 = arith.constant 0 : i32
    %c0_i32_1 = arith.constant 0 : i32
    return %c0_i32, %c0_i32_0 : i32, i32
  }
  func.func @transform_11(%arg0: i32) -> (i32, i32) {
    %c0_i32 = arith.constant 0 : i32
    %c0_i32_0 = arith.constant 0 : i32
    %c0_i32_1 = arith.constant 0 : i32
    return %c0_i32, %c0_i32_0 : i32, i32
  }
  func.func @transform_12(%arg0: i32) -> (i32, i32) {
    %c0_i32 = arith.constant 0 : i32
    %c0_i32_0 = arith.constant 0 : i32
    %c0_i32_1 = arith.constant 0 : i32
    return %c0_i32, %c0_i32_0 : i32, i32
  }
  func.func @transform_13(%arg0: i32) -> i32 {
    %c0_i32 = arith.constant 0 : i32
    %c0_i32_0 = arith.constant 0 : i32
    return %c0_i32 : i32
  }
  func.func @transform_14(%arg0: i32) -> (i32, i32) {
    %c0_i32 = arith.constant 0 : i32
    %c0_i32_0 = arith.constant 0 : i32
    return %arg0, %c0_i32 : i32, i32
  }
  func.func @transform_15(%arg0: i32) -> (i32, i32) {
    %c0_i32 = arith.constant 0 : i32
    %c0_i32_0 = arith.constant 0 : i32
    return %arg0, %c0_i32 : i32, i32
  }
  func.func @transform_16(%arg0: i32) -> (i32, i32) {
    %c0_i32 = arith.constant 0 : i32
    %c0_i32_0 = arith.constant 0 : i32
    return %arg0, %c0_i32 : i32, i32
  }
}

module attributes {stable_mosaic.version = 14 : i64} {
  func.func @_post_body(%arg0: i32, %arg1: memref<2000x40xf32, #tpu.memory_space<vmem>>, %arg2: memref<2000x40xf32, #tpu.memory_space<vmem>>, %arg3: memref<2000x1xf32, #tpu.memory_space<vmem>>, %arg4: memref<2000x40xf32, #tpu.memory_space<vmem>>, %arg5: memref<40x64xf32, #tpu.memory_space<vmem>>, %arg6: memref<1x64xf32, #tpu.memory_space<vmem>>, %arg7: memref<40x64xf32, #tpu.memory_space<vmem>>, %arg8: memref<64x64xf32, #tpu.memory_space<vmem>>, %arg9: memref<1x64xf32, #tpu.memory_space<vmem>>, %arg10: memref<64x64xf32, #tpu.memory_space<vmem>>, %arg11: memref<1x64xf32, #tpu.memory_space<vmem>>, %arg12: memref<64x64xf32, #tpu.memory_space<vmem>>, %arg13: memref<1x64xf32, #tpu.memory_space<vmem>>, %arg14: memref<64x1xf32, #tpu.memory_space<vmem>>, %arg15: memref<1xf32, #tpu.memory_space<smem>>, %arg16: memref<2000x1xf32, #tpu.memory_space<vmem>>) attributes {dimension_semantics = [#tpu.dimension_semantics<arbitrary>], iteration_bounds = array<i64: 25>, scalar_prefetch = 0 : i64, scratch_operands = 0 : i64, tpu.core_type = #tpu.core_type<tc>, window_params = [{transform_indices = @transform_0, window_bounds = array<i64: 2000, 40>}, {transform_indices = @transform_1, window_bounds = array<i64: 2000, 40>}, {transform_indices = @transform_2, window_bounds = array<i64: 2000, 1>}, {transform_indices = @transform_3, window_bounds = array<i64: 2000, 40>}, {pipeline_mode = #tpu.pipeline_mode<synchronous>, transform_indices = @transform_4, window_bounds = array<i64: 40, 64>}, {pipeline_mode = #tpu.pipeline_mode<synchronous>, transform_indices = @transform_5, window_bounds = array<i64: 1, 64>}, {pipeline_mode = #tpu.pipeline_mode<synchronous>, transform_indices = @transform_6, window_bounds = array<i64: 40, 64>}, {pipeline_mode = #tpu.pipeline_mode<synchronous>, transform_indices = @transform_7, window_bounds = array<i64: 64, 64>}, {pipeline_mode = #tpu.pipeline_mode<synchronous>, transform_indices = @transform_8, window_bounds = array<i64: 1, 64>}, {pipeline_mode = #tpu.pipeline_mode<synchronous>, transform_indices = @transform_9, window_bounds = array<i64: 64, 64>}, {pipeline_mode = #tpu.pipeline_mode<synchronous>, transform_indices = @transform_10, window_bounds = array<i64: 1, 64>}, {pipeline_mode = #tpu.pipeline_mode<synchronous>, transform_indices = @transform_11, window_bounds = array<i64: 64, 64>}, {pipeline_mode = #tpu.pipeline_mode<synchronous>, transform_indices = @transform_12, window_bounds = array<i64: 1, 64>}, {pipeline_mode = #tpu.pipeline_mode<synchronous>, transform_indices = @transform_13, window_bounds = array<i64: 64, 1>}, {transform_indices = @transform_14, window_bounds = array<i64: 1>}, {transform_indices = @transform_15, window_bounds = array<i64: 2000, 1>}]} {
    %get3A = arith.constant 0 : index
    %get3A_0 = arith.constant 0 : index
    %get3A_1 = vector.load %arg3[%get3A, %get3A_0] : memref<2000x1xf32, #tpu.memory_space<vmem>>, vector<2000x1xf32>
    %get3A_2 = arith.constant 0 : index
    %get3A_3 = arith.constant 0 : index
    %get3A_4 = vector.load %arg1[%get3A_2, %get3A_3] : memref<2000x40xf32, #tpu.memory_space<vmem>>, vector<2000x40xf32>
    %get3A_5 = arith.constant 0 : index
    %get3A_6 = arith.constant 0 : index
    %get3A_7 = vector.load %arg2[%get3A_5, %get3A_6] : memref<2000x40xf32, #tpu.memory_space<vmem>>, vector<2000x40xf32>
    %mul3A = vector.broadcast %get3A_1 : vector<2000x1xf32> to vector<2000x40xf32>
    %mul3A_8 = arith.mulf %mul3A, %get3A_7 : vector<2000x40xf32>
    %add3A = arith.addf %get3A_4, %mul3A_8 : vector<2000x40xf32>
    %mul3A_9 = arith.constant 5.000000e-01 : f32
    %mul3A_10 = vector.broadcast %mul3A_9 : f32 to vector<2000x40xf32>
    %mul3A_11 = arith.mulf %mul3A_10, %add3A : vector<2000x40xf32>
    %convert_element_type3A = arith.truncf %mul3A_11 : vector<2000x40xf32> to vector<2000x40xbf16>
    %get3A_12 = arith.constant 0 : index
    %get3A_13 = arith.constant 0 : index
    %get3A_14 = vector.load %arg5[%get3A_12, %get3A_13] : memref<40x64xf32, #tpu.memory_space<vmem>>, vector<40x64xf32>
    %convert_element_type3A_15 = arith.truncf %get3A_14 : vector<40x64xf32> to vector<40x64xbf16>
    %dot_general3A = arith.constant dense<0.000000e+00> : vector<2000x64xf32>
    %dot_general3A_16 = tpu.matmul %convert_element_type3A, %convert_element_type3A_15, %dot_general3A {dimension_numbers = #tpu.dot_dimension_numbers<[1], [0], [0], [1], [0, 0, 1, 1], [], []>, transpose_lhs_hint = false} : vector<2000x40xbf16>, vector<40x64xbf16>, vector<2000x64xf32> -> vector<2000x64xf32>
    %get3A_17 = arith.constant 0 : index
    %get3A_18 = arith.constant 0 : index
    %get3A_19 = vector.load %arg6[%get3A_17, %get3A_18] : memref<1x64xf32, #tpu.memory_space<vmem>>, vector<1x64xf32>
    %add3A_20 = vector.broadcast %get3A_19 : vector<1x64xf32> to vector<2000x64xf32>
    %add3A_21 = arith.addf %dot_general3A_16, %add3A_20 : vector<2000x64xf32>
    %get3A_22 = arith.constant 0 : index
    %get3A_23 = arith.constant 0 : index
    %get3A_24 = vector.load %arg4[%get3A_22, %get3A_23] : memref<2000x40xf32, #tpu.memory_space<vmem>>, vector<2000x40xf32>
    %convert_element_type3A_25 = arith.truncf %get3A_24 : vector<2000x40xf32> to vector<2000x40xbf16>
    %get3A_26 = arith.constant 0 : index
    %get3A_27 = arith.constant 0 : index
    %get3A_28 = vector.load %arg7[%get3A_26, %get3A_27] : memref<40x64xf32, #tpu.memory_space<vmem>>, vector<40x64xf32>
    %convert_element_type3A_29 = arith.truncf %get3A_28 : vector<40x64xf32> to vector<40x64xbf16>
    %dot_general3A_30 = arith.constant dense<0.000000e+00> : vector<2000x64xf32>
    %dot_general3A_31 = tpu.matmul %convert_element_type3A_25, %convert_element_type3A_29, %dot_general3A_30 {dimension_numbers = #tpu.dot_dimension_numbers<[1], [0], [0], [1], [0, 0, 1, 1], [], []>, transpose_lhs_hint = false} : vector<2000x40xbf16>, vector<40x64xbf16>, vector<2000x64xf32> -> vector<2000x64xf32>
    %add3A_32 = arith.addf %add3A_21, %dot_general3A_31 : vector<2000x64xf32>
    %ge3A = arith.constant 0.000000e+00 : f32
    %ge3A_33 = vector.broadcast %ge3A : f32 to vector<2000x64xf32>
    %ge3A_34 = arith.cmpf oge, %add3A_32, %ge3A_33 : vector<2000x64xf32>
    %mul3A_35 = arith.constant 1.000000e-01 : f32
    %mul3A_36 = vector.broadcast %mul3A_35 : f32 to vector<2000x64xf32>
    %mul3A_37 = arith.mulf %mul3A_36, %add3A_32 : vector<2000x64xf32>
    %select_n3A = arith.select %ge3A_34, %add3A_32, %mul3A_37 : vector<2000x64xi1>, vector<2000x64xf32>
    %convert_element_type3A_38 = arith.truncf %select_n3A : vector<2000x64xf32> to vector<2000x64xbf16>
    %get3A_39 = arith.constant 0 : index
    %get3A_40 = arith.constant 0 : index
    %get3A_41 = vector.load %arg8[%get3A_39, %get3A_40] : memref<64x64xf32, #tpu.memory_space<vmem>>, vector<64x64xf32>
    %convert_element_type3A_42 = arith.truncf %get3A_41 : vector<64x64xf32> to vector<64x64xbf16>
    %dot_general3A_43 = arith.constant dense<0.000000e+00> : vector<2000x64xf32>
    %dot_general3A_44 = tpu.matmul %convert_element_type3A_38, %convert_element_type3A_42, %dot_general3A_43 {dimension_numbers = #tpu.dot_dimension_numbers<[1], [0], [0], [1], [0, 0, 1, 1], [], []>, transpose_lhs_hint = false} : vector<2000x64xbf16>, vector<64x64xbf16>, vector<2000x64xf32> -> vector<2000x64xf32>
    %get3A_45 = arith.constant 0 : index
    %get3A_46 = arith.constant 0 : index
    %get3A_47 = vector.load %arg9[%get3A_45, %get3A_46] : memref<1x64xf32, #tpu.memory_space<vmem>>, vector<1x64xf32>
    %add3A_48 = vector.broadcast %get3A_47 : vector<1x64xf32> to vector<2000x64xf32>
    %add3A_49 = arith.addf %dot_general3A_44, %add3A_48 : vector<2000x64xf32>
    %ge3A_50 = arith.constant 0.000000e+00 : f32
    %ge3A_51 = vector.broadcast %ge3A_50 : f32 to vector<2000x64xf32>
    %ge3A_52 = arith.cmpf oge, %add3A_49, %ge3A_51 : vector<2000x64xf32>
    %mul3A_53 = arith.constant 1.000000e-01 : f32
    %mul3A_54 = vector.broadcast %mul3A_53 : f32 to vector<2000x64xf32>
    %mul3A_55 = arith.mulf %mul3A_54, %add3A_49 : vector<2000x64xf32>
    %select_n3A_56 = arith.select %ge3A_52, %add3A_49, %mul3A_55 : vector<2000x64xi1>, vector<2000x64xf32>
    %convert_element_type3A_57 = arith.truncf %select_n3A_56 : vector<2000x64xf32> to vector<2000x64xbf16>
    %get3A_58 = arith.constant 0 : index
    %get3A_59 = arith.constant 0 : index
    %get3A_60 = vector.load %arg10[%get3A_58, %get3A_59] : memref<64x64xf32, #tpu.memory_space<vmem>>, vector<64x64xf32>
    %convert_element_type3A_61 = arith.truncf %get3A_60 : vector<64x64xf32> to vector<64x64xbf16>
    %dot_general3A_62 = arith.constant dense<0.000000e+00> : vector<2000x64xf32>
    %dot_general3A_63 = tpu.matmul %convert_element_type3A_57, %convert_element_type3A_61, %dot_general3A_62 {dimension_numbers = #tpu.dot_dimension_numbers<[1], [0], [0], [1], [0, 0, 1, 1], [], []>, transpose_lhs_hint = false} : vector<2000x64xbf16>, vector<64x64xbf16>, vector<2000x64xf32> -> vector<2000x64xf32>
    %get3A_64 = arith.constant 0 : index
    %get3A_65 = arith.constant 0 : index
    %get3A_66 = vector.load %arg11[%get3A_64, %get3A_65] : memref<1x64xf32, #tpu.memory_space<vmem>>, vector<1x64xf32>
    %add3A_67 = vector.broadcast %get3A_66 : vector<1x64xf32> to vector<2000x64xf32>
    %add3A_68 = arith.addf %dot_general3A_63, %add3A_67 : vector<2000x64xf32>
    %ge3A_69 = arith.constant 0.000000e+00 : f32
    %ge3A_70 = vector.broadcast %ge3A_69 : f32 to vector<2000x64xf32>
    %ge3A_71 = arith.cmpf oge, %add3A_68, %ge3A_70 : vector<2000x64xf32>
    %mul3A_72 = arith.constant 1.000000e-01 : f32
    %mul3A_73 = vector.broadcast %mul3A_72 : f32 to vector<2000x64xf32>
    %mul3A_74 = arith.mulf %mul3A_73, %add3A_68 : vector<2000x64xf32>
    %select_n3A_75 = arith.select %ge3A_71, %add3A_68, %mul3A_74 : vector<2000x64xi1>, vector<2000x64xf32>
    %convert_element_type3A_76 = arith.truncf %select_n3A_75 : vector<2000x64xf32> to vector<2000x64xbf16>
    %get3A_77 = arith.constant 0 : index
    %get3A_78 = arith.constant 0 : index
    %get3A_79 = vector.load %arg12[%get3A_77, %get3A_78] : memref<64x64xf32, #tpu.memory_space<vmem>>, vector<64x64xf32>
    %convert_element_type3A_80 = arith.truncf %get3A_79 : vector<64x64xf32> to vector<64x64xbf16>
    %dot_general3A_81 = arith.constant dense<0.000000e+00> : vector<2000x64xf32>
    %dot_general3A_82 = tpu.matmul %convert_element_type3A_76, %convert_element_type3A_80, %dot_general3A_81 {dimension_numbers = #tpu.dot_dimension_numbers<[1], [0], [0], [1], [0, 0, 1, 1], [], []>, transpose_lhs_hint = false} : vector<2000x64xbf16>, vector<64x64xbf16>, vector<2000x64xf32> -> vector<2000x64xf32>
    %get3A_83 = arith.constant 0 : index
    %get3A_84 = arith.constant 0 : index
    %get3A_85 = vector.load %arg13[%get3A_83, %get3A_84] : memref<1x64xf32, #tpu.memory_space<vmem>>, vector<1x64xf32>
    %add3A_86 = vector.broadcast %get3A_85 : vector<1x64xf32> to vector<2000x64xf32>
    %add3A_87 = arith.addf %dot_general3A_82, %add3A_86 : vector<2000x64xf32>
    %ge3A_88 = arith.constant 0.000000e+00 : f32
    %ge3A_89 = vector.broadcast %ge3A_88 : f32 to vector<2000x64xf32>
    %ge3A_90 = arith.cmpf oge, %add3A_87, %ge3A_89 : vector<2000x64xf32>
    %mul3A_91 = arith.constant 1.000000e-01 : f32
    %mul3A_92 = vector.broadcast %mul3A_91 : f32 to vector<2000x64xf32>
    %mul3A_93 = arith.mulf %mul3A_92, %add3A_87 : vector<2000x64xf32>
    %select_n3A_94 = arith.select %ge3A_90, %add3A_87, %mul3A_93 : vector<2000x64xi1>, vector<2000x64xf32>
    %convert_element_type3A_95 = arith.truncf %select_n3A_94 : vector<2000x64xf32> to vector<2000x64xbf16>
    %get3A_96 = arith.constant 0 : index
    %get3A_97 = arith.constant 0 : index
    %get3A_98 = vector.load %arg14[%get3A_96, %get3A_97] : memref<64x1xf32, #tpu.memory_space<vmem>>, vector<64x1xf32>
    %convert_element_type3A_99 = arith.truncf %get3A_98 : vector<64x1xf32> to vector<64x1xbf16>
    %dot_general3A_100 = arith.constant dense<0.000000e+00> : vector<2000x1xf32>
    %dot_general3A_101 = tpu.matmul %convert_element_type3A_95, %convert_element_type3A_99, %dot_general3A_100 {dimension_numbers = #tpu.dot_dimension_numbers<[1], [0], [0], [1], [0, 0, 1, 1], [], []>, transpose_lhs_hint = false} : vector<2000x64xbf16>, vector<64x1xbf16>, vector<2000x1xf32> -> vector<2000x1xf32>
    %get3A_102 = arith.constant 0 : index
    %get3A_103 = memref.load %arg15[%get3A_102] : memref<1xf32, #tpu.memory_space<smem>>
    %add3A_104 = vector.broadcast %get3A_103 : f32 to vector<2000x1xf32>
    %add3A_105 = arith.addf %dot_general3A_101, %add3A_104 : vector<2000x1xf32>
    %swap3A = arith.constant 0 : index
    %swap3A_106 = arith.constant 0 : index
    %swap3A_107 = vector.load %arg16[%swap3A, %swap3A_106] : memref<2000x1xf32, #tpu.memory_space<vmem>>, vector<2000x1xf32>
    tpu.vector_store %arg16[%swap3A, %swap3A_106], %add3A_105 {strides = array<i32>} : memref<2000x1xf32, #tpu.memory_space<vmem>>, vector<2000x1xf32>,
    return
  }
  func.func @transform_0(%arg0: i32) -> (i32, i32) {
    %c0_i32 = arith.constant 0 : i32
    %c0_i32_0 = arith.constant 0 : i32
    return %arg0, %c0_i32 : i32, i32
  }
  func.func @transform_1(%arg0: i32) -> (i32, i32) {
    %c0_i32 = arith.constant 0 : i32
    %c0_i32_0 = arith.constant 0 : i32
    return %arg0, %c0_i32 : i32, i32
  }
  func.func @transform_2(%arg0: i32) -> (i32, i32) {
    %c0_i32 = arith.constant 0 : i32
    %c0_i32_0 = arith.constant 0 : i32
    return %arg0, %c0_i32 : i32, i32
  }
  func.func @transform_3(%arg0: i32) -> (i32, i32) {
    %c0_i32 = arith.constant 0 : i32
    %c0_i32_0 = arith.constant 0 : i32
    return %arg0, %c0_i32 : i32, i32
  }
  func.func @transform_4(%arg0: i32) -> (i32, i32) {
    %c0_i32 = arith.constant 0 : i32
    %c0_i32_0 = arith.constant 0 : i32
    %c0_i32_1 = arith.constant 0 : i32
    return %c0_i32, %c0_i32_0 : i32, i32
  }
  func.func @transform_5(%arg0: i32) -> (i32, i32) {
    %c0_i32 = arith.constant 0 : i32
    %c0_i32_0 = arith.constant 0 : i32
    %c0_i32_1 = arith.constant 0 : i32
    return %c0_i32, %c0_i32_0 : i32, i32
  }
  func.func @transform_6(%arg0: i32) -> (i32, i32) {
    %c0_i32 = arith.constant 0 : i32
    %c0_i32_0 = arith.constant 0 : i32
    %c0_i32_1 = arith.constant 0 : i32
    return %c0_i32, %c0_i32_0 : i32, i32
  }
  func.func @transform_7(%arg0: i32) -> (i32, i32) {
    %c0_i32 = arith.constant 0 : i32
    %c0_i32_0 = arith.constant 0 : i32
    %c0_i32_1 = arith.constant 0 : i32
    return %c0_i32, %c0_i32_0 : i32, i32
  }
  func.func @transform_8(%arg0: i32) -> (i32, i32) {
    %c0_i32 = arith.constant 0 : i32
    %c0_i32_0 = arith.constant 0 : i32
    %c0_i32_1 = arith.constant 0 : i32
    return %c0_i32, %c0_i32_0 : i32, i32
  }
  func.func @transform_9(%arg0: i32) -> (i32, i32) {
    %c0_i32 = arith.constant 0 : i32
    %c0_i32_0 = arith.constant 0 : i32
    %c0_i32_1 = arith.constant 0 : i32
    return %c0_i32, %c0_i32_0 : i32, i32
  }
  func.func @transform_10(%arg0: i32) -> (i32, i32) {
    %c0_i32 = arith.constant 0 : i32
    %c0_i32_0 = arith.constant 0 : i32
    %c0_i32_1 = arith.constant 0 : i32
    return %c0_i32, %c0_i32_0 : i32, i32
  }
  func.func @transform_11(%arg0: i32) -> (i32, i32) {
    %c0_i32 = arith.constant 0 : i32
    %c0_i32_0 = arith.constant 0 : i32
    %c0_i32_1 = arith.constant 0 : i32
    return %c0_i32, %c0_i32_0 : i32, i32
  }
  func.func @transform_12(%arg0: i32) -> (i32, i32) {
    %c0_i32 = arith.constant 0 : i32
    %c0_i32_0 = arith.constant 0 : i32
    %c0_i32_1 = arith.constant 0 : i32
    return %c0_i32, %c0_i32_0 : i32, i32
  }
  func.func @transform_13(%arg0: i32) -> (i32, i32) {
    %c0_i32 = arith.constant 0 : i32
    %c0_i32_0 = arith.constant 0 : i32
    %c0_i32_1 = arith.constant 0 : i32
    return %c0_i32, %c0_i32_0 : i32, i32
  }
  func.func @transform_14(%arg0: i32) -> i32 {
    %c0_i32 = arith.constant 0 : i32
    %c0_i32_0 = arith.constant 0 : i32
    return %c0_i32 : i32
  }
  func.func @transform_15(%arg0: i32) -> (i32, i32) {
    %c0_i32 = arith.constant 0 : i32
    %c0_i32_0 = arith.constant 0 : i32
    return %arg0, %c0_i32 : i32, i32
  }
}

</mosaic_0001>

<sc_bundles>
// kernel: kernel.5.cloned.1.call-start
scs
__scs_entry_jumppad:
0x0: {  	(pc) =	sbr.rel $0x88, $3  }
0x1: {  	(tag) =	ssettag $0x0;
	lr =	simm.s32 $0x1  }
0x2: {  	[smem:$0x3F8B] =	sst lr;
	_ =	strace $0xD0000000  }
0x3: {  	_ = 	snop  }
0x4: {  	_ = 	snop  }
0x5: {  	_ = 	snop  }
0x6: {  	_ = 	snop  }
0x7: {  	_ = 	snop  }
__scs_overlays_trampoline_lowered:
0x8: {  	[smem:$0x3F9A] =	sst s0  }
0x9: {  	[smem:$0x3F9B] =	sst s1  }
0xa: {  	[smem:$0x3F9C] =	sst s2  }
0xb: {  	[smem:$0x3F9D] =	sst s3  }
0xc: {  	[smem:$0x3F9E] =	sst s4  }
0xd: {  	[smem:$0x3F9F] =	sst s5  }
0xe: {  	[smem:$0x3FA0] =	sst s6  }
0xf: {  	[smem:$0x3FA1] =	sst s7  }
0x10: {  	[smem:$0x3FA2] =	sst s8  }
0x11: {  	[smem:$0x3FA3] =	sst s9;
	s0 =	simm.s32 @!p0 $0x0  }
0x12: {  	s1 =	sld [smem:$0x3F89];
	s0 =	simm.s32 @p0 $0x1  }
0x13: {  	[smem:$0x3FA4] =	sst s0;
	s0 =	simm.s32 @!p1 $0x0  }
0x14: {  	s2 =	sld [smem:$0x3F88];
	s0 =	simm.s32 @p1 $0x1  }
0x15: {  	[smem:$0x3FA5] =	sst s0;
	s0 =	simm.s32 @!p2 $0x0  }
0x16: {  	s3 =	sld [smem:$0x3FDB];
	s0 =	simm.s32 @p2 $0x1  }
0x17: {  	s4 =	simm.s32 $0x1BF5;
	[smem:$0x3FA7] =	sst s0  }
0x18: {  	s0 =	sld [smem:$0x3F8A];
	_ =	swait.ge [sflag:s4], $0x0  }
0x19: {  	s7 =	sld [smem:$0x3F8B]  }
0x1a: {  	s8 =	sadd.s32 $0xFFFFE003, lr  }
0x1b: {  	s9 =	sadd.s32 $0xFFFFFEF7, lr;
	s5 =	simm.s32 $0xFFFFFFFF;
	p2 =	slt.u32 s8, $0xFFFFF086  }
0x1c: {  	p1 =	slt.u32 s9, $0xF7A;
	s5 =	simm.s32 @!p2 $0x0  }
0x1d: {  	s5 =	simm.s32 @p1 $0x1;
	p0 =	seq.s32 s7, s2  }
0x1e: {  	s7 =	smul.u32 @!p0 $0xF7A, s2;
	p2 =	seq.s32 @!p0 s5, $0x0  }
0x1f: {  	s9 =	smul.u32 $0xF7A, s1;
	s8 =	simm.s32 @!p0 $0x1BF5;
	p2 =	por !p2, p0  }
0x20: {  	[sflag:s8] =	ssyncset.s32 @!p0 $0xFFFFF086;
	s6 =	sadd.s32 @!p0 s3, s7;
	s7 =	simm.s32 @!p0 $0x108  }
0x21: {  	s3 =	sadd.s32 s3, s9;
	s6 =	sadd.s32 @!p0 $0x88, s6;
	s7 =	simm.s32 @p2 $0x1082  }
0x22: {  	[simem:s7], [sflag:s8] =	dma.local @!p0 [hbm:s6], $0xF7A  }
0x23: {  	s9 =	sor.u32 $0xD0000000, s2;
	s6 =	simm.s32 $0x108;
	_ =	swait.ge @!p0 [sflag:s8], $0x0  }
0x24: {  	s3 =	sadd.s32 $0x88, s3;
	s6 =	simm.s32 @!p1 $0x1082;
	[sflag:s4] =	ssyncset.s32 $0xFFFFF086  }
0x25: {  	[simem:s6], [sflag:s4] =	dma.local [hbm:s3], $0xF7A  }
0x26: {  	[smem:$0x3F8B] =	sst s1;
	(tag) =	ssettag s2;
	_ =	strace s9  }
0x27: {  	s1 =	sld [smem:$0x3F9B]  }
0x28: {  	s2 =	sld [smem:$0x3F9C]  }
0x29: {  	s4 =	sld [smem:$0x3F9E]  }
0x2a: {  	p0 =	seq.s32 s5, $0x0;
	s5 =	sld [smem:$0x3F9F]  }
0x2b: {  	s6 =	sld [smem:$0x3FA0]  }
0x2c: {  	s7 =	sld [smem:$0x3FA1]  }
0x2d: {  	s3 =	simm.s32 $0x108;
	s8 =	sld [smem:$0x3FA2]  }
0x2e: {  	s3 =	simm.s32 @!p0 $0x1082;
	s9 =	sld [smem:$0x3FA3]  }
0x2f: {  	lr =	sadd.s32 s0, s3;
	s0 =	sld [smem:$0x3F9A]  }
0x30: {  	s3 =	sld [smem:$0x3F9D]  }
0x31: {  	[smem:$0x3FA6] =	sst s10  }
0x32: {  	s10 =	sld [smem:$0x3FA4];
	_ =	sdelay $0x3  }
0x33: {  	p0 =	seq.s32 s10, $0x1;
	s10 =	sld [smem:$0x3FA6];
	_ =	sdelay $0x3  }
0x34: {  	[smem:$0x3FA6] =	sst s10  }
0x35: {  	s10 =	sld [smem:$0x3FA5];
	_ =	sdelay $0x3  }
0x36: {  	p1 =	seq.s32 s10, $0x1;
	s10 =	sld [smem:$0x3FA6];
	_ =	sdelay $0x3  }
0x37: {  	[smem:$0x3FA6] =	sst s10  }
0x38: {  	s10 =	sld [smem:$0x3FA7]  }
0x39: {  	_ = 	snop;
	(pc) =	sbr.ind lr, $3  }
0x3a: {  	_ = 	snop  }
0x3b: {  	_ = 	snop  }
0x3c: {  	p2 =	seq.s32 s10, $0x1;
	s10 =	sld [smem:$0x3FA6]  }
0x3d: {  	_ =	shalt  }
0x3e: {  	_ =	shalt  }
0x3f: {  	_ =	shalt  }
0x40: {  	_ =	shalt  }
0x41: {  	_ =	shalt  }
0x42: {  	_ =	shalt  }
0x43: {  	_ =	shalt  }
0x44: {  	_ =	shalt  }
0x45: {  	_ =	shalt  }
0x46: {  	_ =	shalt  }
0x47: {  	_ =	shalt  }
0x48: {  	_ =	shalt  }
0x49: {  	_ =	shalt  }
0x4a: {  	_ =	shalt  }
0x4b: {  	_ =	shalt  }
0x4c: {  	_ =	shalt  }
0x4d: {  	_ =	shalt  }
0x4e: {  	_ =	shalt  }
0x4f: {  	_ =	shalt  }
0x50: {  	_ =	shalt  }
0x51: {  	_ =	shalt  }
0x52: {  	_ =	shalt  }
0x53: {  	_ =	shalt  }
0x54: {  	_ =	shalt  }
0x55: {  	_ =	shalt  }
0x56: {  	_ =	shalt  }
0x57: {  	_ =	shalt  }
0x58: {  	_ =	shalt  }
0x59: {  	_ =	shalt  }
0x5a: {  	_ =	shalt  }
0x5b: {  	_ =	shalt  }
0x5c: {  	_ =	shalt  }
0x5d: {  	_ =	shalt  }
0x5e: {  	_ =	shalt  }
0x5f: {  	_ =	shalt  }
0x60: {  	_ =	shalt  }
0x61: {  	_ =	shalt  }
0x62: {  	_ =	shalt  }
0x63: {  	_ =	shalt  }
0x64: {  	_ =	shalt  }
0x65: {  	_ =	shalt  }
0x66: {  	_ =	shalt  }
0x67: {  	_ =	shalt  }
0x68: {  	_ =	shalt  }
0x69: {  	_ =	shalt  }
0x6a: {  	_ =	shalt  }
0x6b: {  	_ =	shalt  }
0x6c: {  	_ =	shalt  }
0x6d: {  	_ =	shalt  }
0x6e: {  	_ =	shalt  }
0x6f: {  	_ =	shalt  }
0x70: {  	_ =	shalt  }
0x71: {  	_ =	shalt  }
0x72: {  	_ =	shalt  }
0x73: {  	_ =	shalt  }
0x74: {  	_ =	shalt  }
0x75: {  	_ =	shalt  }
0x76: {  	_ =	shalt  }
0x77: {  	_ =	shalt  }
0x78: {  	_ =	shalt  }
0x79: {  	_ =	shalt  }
0x7a: {  	_ =	shalt  }
0x7b: {  	_ =	shalt  }
0x7c: {  	_ =	shalt  }
0x7d: {  	_ =	shalt  }
0x7e: {  	_ =	shalt  }
0x7f: {  	_ =	shalt  }
0x80: {  	_ =	shalt  }
0x81: {  	_ =	shalt  }
0x82: {  	_ =	shalt  }
0x83: {  	_ =	shalt  }
0x84: {  	_ =	shalt  }
0x85: {  	_ =	shalt  }
0x86: {  	_ =	shalt  }
0x87: {  	_ =	shalt  }
.Lfunc_end0:
.L_simem_size_0:
called_computation.1_lowered:
.L_overlay_start_0:
0x88: {  	s2 =	sld [smem:$0x3FD9]  }
0x89: {  	s3 =	sld [smem:$0x3FFE];
	_ =	sdelay $0x1  }
0x8a: {  	s1 =	srdreg.scid  }
0x8b: {  	s0 =	sand.u32 $0x1, s1  }
0x8c: {  	s16 =	sshll.u32 s0, $0xA;
	s2 =	sadd.s32 s3, s2  }
0x8d: {  	s2 =	sadd.s32 s2, s16  }
0x8e: {  	[smem:$0x3FB2] =	sst s2  }
0x8f: {  	_ = 	snop  }
0x90: {  	(tm) =	ssettm $0x1  }
0x91: {  	s17 =	sld [smem:$0x3FFB];
	_ =	sdelay $0x3  }
0x92: {  	_ =	strace s17  }
0x93: {  	s2 =	sld [smem:$0x3FFC];
	_ =	sdelay $0x3  }
0x94: {  	_ =	strace s2  }
0x95: {  	s2 =	sld [smem:$0x3FFD];
	_ =	sdelay $0x3  }
0x96: {  	_ =	strace s2  }
0x97: {  	_ =	strace $0x8FFFFFFF  }
0x98: {  	s18 =	sld [smem:$0x3FDB];
	_ =	sdelay $0x1  }
0x99: {  	s19 =	simm.s32 $_scs_section_size  }
0x9a: {  	s4 =	simm.s32 $_size__tile_overlayer_lowered;
	s5 =	simm.s32 $_tile_overlayer_lowered  }
0x9b: {  	s22 =	simm.s32 $0x1BFF;
	s21 =	sshll.u32 s5, $0x1;
	s2 =	sadd.s32 s19, s18  }
0x9c: {  	s6 =	simm.s32 $0x0;
	s20 =	sshll.u32 s4, $0x1;
	s4 =	sadd.s32 s21, s2  }
0x9d: {  	[timem:s6], [sflag:s22] =	dma.local [hbm:s4], s20  }
0x9e: {  	_ =	swait.ge [sflag:s22], s20  }
0x9f: {  	s3 =	ssub.s32 $0x0, s20;
	[sflag:s22] =	ssyncset.done $0x0  }
0xa0: {  	[sflag:s22] =	ssyncadd.s32 s3;
	_ =	sdelay $0x1  }
0xa1: {  	s23 =	simm.s32 $0x1B8B  }
0xa2: {  	_ =	swait.ge [sflag:s23], $0x1  }
0xa3: {  	[sflag:s23] =	ssyncset.done $0x0  }
0xa4: {  	s25 =	simm.s32 $0x1B8E;
	s24 =	sld [smem:$0x3FFE];
	[sflag:s23] =	ssyncadd.s32 $0xFFFFFFFF  }
0xa5: {  	s26 =	simm.s32 $execute0_lowered;
	[smem:$0x3FD2] =	sst s25  }
0xa6: {  	s4 =	sshll.u32 s26, $0x1;
	_ =	strace $0x80000049;
	[dreg:$0x1] =	wrdreg $0xFFFFFFFF  }
0xa7: {  	s28 =	simm.s32 $_size_execute0_lowered;
	s2 =	sadd.s32 s2, s4;
	[dreg:$0x0] =	wrdreg $0x0  }
0xa8: {  	s4 =	sshll.u32 s28, $0x1;
	[dreg:$0x2] =	wrdreg s2  }
0xa9: {  	[dreg:$0x3] =	wrdreg s4  }
0xaa: {  	[dreg:$0x4] =	wrdreg $0xC0  }
0xab: {  	_ =	task [dreg:s6], $0x5FFFF  }
0xac: {  	[dreg:$0x1] =	wrdreg $0xFFFFFFFF  }
0xad: {  	[dreg:$0x0] =	wrdreg $0x60  }
0xae: {  	[dreg:$0x2] =	wrdreg s24  }
0xaf: {  	[dreg:$0x3] =	wrdreg $0x15000  }
0xb0: {  	[dreg:$0x4] =	wrdreg $0x9  }
0xb1: {  	_ =	task.clear_ibuf [dreg:s6], $0x5FFFF;
	_ =	strace $0x90000049  }
0xb2: {  	s29 =	simm.s32 $0x9;
	_ =	strace $0x8000004B  }
0xb3: {  	_ =	swait.ge [sflag:s29], $0x1  }
0xb4: {  	[sflag:s29] =	ssyncadd.s32 $0xFFFFFFFF  }
0xb5: {  	_ =	strace $0x9000004B  }
0xb6: {  	_ =	sfence  }
0xb7: {  	s30 =	sld [smem:$0x0];
	_ =	sdelay $0x2  }
0xb8: {  	s31 =	sshll.u32 s1, $0xD;
	s1 =	sshrl.u32 s1, $0x2  }
0xb9: {  	s3 =	sand.u32 $0x4000, s31;
	s1 =	sadd.s32 s1, s30  }
0xba: {  	s0 =	sor.u32 s3, s0;
	s1 =	sshll.u32 s1, $0x11  }
0xbb: {  	s0 =	sor.u32 s1, s0  }
0xbc: {  	s0 =	sadd.s32 $0x8F2B, s0  }
0xbd: {  	[sflag:s0] =	ssyncadd.remote.s32 $0x1  }
0xbe: {  	_ =	sfence.sel $0xFFFF  }
0xbf: {  	[dreg:$0x0] =	wrdreg $0xFFFFFFFF;
	(pc) =	sbr.abs _section_cstart, $3  }
0xc0: {  	[dreg:$0x1] =	wrdreg $0xFFFFFFFF  }
0xc1: {  	_ =	task.clear_ibuf [dreg:s6], $0x2FFFF;
	_ =	strace $0x9FFFFFFF  }
0xc2: {  	(tm) =	ssettm $0x7FFFFFFF  }
0xc3: {  	_ =	shalt  }
tec
execute0_lowered:
.L_overlay_start_1:
0x0: {  	(tag) =	ssettag $0x1  }
0x1: {  	s14 =	rddreg [dreg:$0x0]  }
0x2: {  	s2 =	rddreg [dreg:$0x1]  }
0x3: {  	s0 =	rddreg [dreg:$0x2];
	s3 =	simm.s32 $0x0;
	s1 =	stileid.u32  }
0x4: {  	s4 =	srdreg.scid;
	s19 =	simm.s32 $0x2;
	[smem:$0x7FF] =	sst s3  }
0x5: {  	s10 =	smul.u32 $0x1E8C0, s1;
	s8 =	sand.u32 $0x1, s4;
	s4 =	sadd.s32 $0x314000, s14  }
0x6: {  	s5 =	sadd.s32 $0x344E00, s14;
	s6 =	sadd.s32 $0x4800, s14;
	s7 =	sadd.s32 $0x382000, s14  }
0x7: {  	s16 =	sshll.u32 s1, $0x6;
	s17 =	sshll.u32 s1, $0x4;
	p1 =	seq.s32 s1, $0xF  }
0x8: {  	_ =	strace $0x8000004A;
	s9 =	ssub.s32 $0x2, s8;
	p0 =	seq.s32 s8, $0x1  }
.Ltmp0:
0x9: {  	s8 =	sadd.s32 $0x32C6A0, s14;
	s16 =	sor.u32 $0x1C02, s16;
	(pc) =	sbr.rel .LBB2_1-.Ltmp0, $4  }
0xa: {  	s11 =	sshrl.u32 s10, $0x3;
	s12 =	sshrl.u32 s9, $0x1;
	s10 =	sadd.s32 s10, s2  }
0xb: {  	s13 =	sadd.s32 s11, s14;
	s15 =	ssub.s32 s9, s12;
	s11 =	sadd.s32 $0x3FC468, s14  }
0xc: {  	s12 =	sadd.s32 $0x1CA340, s2;
	s14 =	sadd.s32 $0x3BF268, s14;
	s18 =	sshrl.u32 s10, $0x3  }
0xd: {  	s9 =	sadd.s32 $0x3C3000, s13;
	s13 =	sadd.s32 $0x385E00, s13;
	s15 =	smax.u32 s15, $0x1  }
.LBB2_7:
0xe: {  	s23 =	sadd.s32 @!p4 s22, s4;
	[sflag:s24] =	ssyncset.done @!p2 $0x0  }
0xf: {  	s25 =	simm.s32 @!p4 $0x0;
	s26 =	simm.s32 @!p4 $0x3;
	[sflag:s24] =	ssyncadd.s32 @!p2 $0xFFFFEC00  }
0x10: {  	[tilespmem:s25], [sflag:$0x3] =	stream.linear.gather @!p4 [hbm4b:s23+s25], $0x80, $0x38;
	[tilespmem:$0x1FDC0] =	vst v63  }
0x11: {  	p2 =	por p4, p4;
	_ =	swait.ge @!p4 [sflag:s26], $0x80  }
0x12: {  	[sflag:s26] =	ssyncset.done @!p2 $0x0  }
0x13: {  	s22 =	sadd.s32 @!p2 s22, s8;
	s23 =	simm.s32 @!p2 $0x80;
	[sflag:s26] =	ssyncadd.s32 @!p2 $0xFFFFFF80  }
0x14: {  	[tilespmem:s23], [sflag:$0x3] =	stream.linear.gather @!p2 [hbm4b:s22+s25], $0x80, $0x38;
	[tilespmem:$0x1FDC0] =	vst v63  }
0x15: {  	_ =	swait.ge @!p2 [sflag:s26], $0x80  }
0x16: {  	[sflag:s26] =	ssyncset.done @!p2 $0x0  }
0x17: {  	s24 =	simm.s32 @!p2 $0x1;
	s22 =	simm.s32 @!p2 $0x100;
	[sflag:s26] =	ssyncadd.s32 @!p2 $0xFFFFFF80  }
0x18: {  	[tilespmem:s22], [sflag:$0x1] =	stream.indirect.gather @!p2 [hbm4b:s6+s23], $0x28, s25, s23, $0xb8;
	[tilespmem:$0x1FDC0] =	vst v63  }
0x19: {  	_ =	swait.ge @!p2 [sflag:s24], $0x1400  }
0x1a: {  	[sflag:s24] =	ssyncset.done @!p2 $0x0  }
0x1b: {  	[sflag:s24] =	ssyncadd.s32 @!p2 $0xFFFFEC00;
	s24 =	simm.s32 @!p2 $0x2  }
0x1c: {  	[spmem:s2] =	stream.indirect.scatter.add.f32 @!p2 [tilespmem:s22], [sflag:$0x2], $0x28, s23, s23, $0xb8;
	[tilespmem:$0x1FDC0] =	vst v63  }
0x1d: {  	_ =	swait.ge @!p2 [sflag:s24], $0x1400  }
0x1e: {  	[sflag:s24] =	ssyncset.done @!p2 $0x0  }
0x1f: {  	[sflag:s24] =	ssyncadd.s32 @!p2 $0xFFFFEC00  }
0x20: {  	[bflag:$0x0] =	sbarrier.arrive $0xFFFF  }
0x21: {  	[hbm:s14], [sflag:s16] =	dma.local @p1 [spmem:s21], $0x3C28  }
0x22: {  	s21 =	simm.s32 @p1 $0x2  }
0x23: {  	_ =	swait.ge @p1 [sflag:s21], $0x3C28  }
0x24: {  	[sflag:s21] =	ssyncset.done @p1 $0x0  }
0x25: {  	[sflag:s21] =	ssyncadd.s32 @p1 $0xFFFFC3D8  }
0x26: {  	[hbm:s13], [sflag:s16] =	dma.local @!p1 [spmem:s20], $0x3D18  }
0x27: {  	s20 =	simm.s32 @!p1 $0x2  }
0x28: {  	_ =	swait.ge @!p1 [sflag:s20], $0x3D18  }
0x29: {  	[sflag:s20] =	ssyncset.done @!p1 $0x0  }
0x2a: {  	[sflag:s20] =	ssyncadd.s32 @!p1 $0xFFFFC2E8  }
.LBB2_8:
0x2b: {  	s3 =	sadd.s32 $0x1, s3  }
0x2c: {  	p2 =	sne.s32 s3, s15  }
.Ltmp1:
0x2d: {  	_ = 	snop;
	(pc) =	sbr.rel @!p2 .LBB2_9-.Ltmp1, $1  }
0x2e: {  	_ =	sdelay $0x3  }
.LBB2_1:
0x2f: {  	[spmem:s18], [sflag:s16] =	dma.local [hbm:s7], $0x3D18  }
.Ltmp2:
0x30: {  	_ =	swait.ge [sflag:s19], $0x3D18;
	(pc) =	sbr.rel @!p0 .LBB2_2-.Ltmp2, $4  }
0x31: {  	[sflag:s19] =	ssyncset.done $0x0  }
0x32: {  	[sflag:s19] =	ssyncadd.s32 $0xFFFFC2E8  }
0x33: {  	s22 =	sadd.s32 $0x0, s1;
	[bflag:$0x0] =	sbarrier.arrive $0xFFFF  }
0x34: {  	s21 =	sshrl.u32 @p1 s12, $0x3;
	s20 =	sshrl.u32 @!p1 s10, $0x3;
	p2 =	sgt.u32 s22, $0x1869  }
0x35: {  	s22 =	sadd.s32 @!p2 s17, s4;
	s23 =	simm.s32 @!p2 $0x0;
	s24 =	simm.s32 @!p2 $0x3  }
0x36: {  	[tilespmem:s23], [sflag:$0x3] =	stream.linear.gather @!p2 [hbm4b:s22+s23], $0x80, $0x38;
	[tilespmem:$0x1FDC0] =	vst v63  }
0x37: {  	_ =	swait.ge @!p2 [sflag:s24], $0x80;
	p2 =	por p2, p2  }
0x38: {  	[sflag:s24] =	ssyncset.done @!p2 $0x0  }
0x39: {  	s22 =	sadd.s32 @!p2 s17, s8;
	s25 =	simm.s32 @!p2 $0x80;
	[sflag:s24] =	ssyncadd.s32 @!p2 $0xFFFFFF80  }
0x3a: {  	[tilespmem:s25], [sflag:$0x3] =	stream.linear.gather @!p2 [hbm4b:s22+s23], $0x80, $0x38;
	[tilespmem:$0x1FDC0] =	vst v63  }
0x3b: {  	_ =	swait.ge @!p2 [sflag:s24], $0x80  }
0x3c: {  	[sflag:s24] =	ssyncset.done @!p2 $0x0  }
0x3d: {  	s22 =	simm.s32 @!p2 $0x100;
	[sflag:s24] =	ssyncadd.s32 @!p2 $0xFFFFFF80;
	s24 =	simm.s32 @!p2 $0x1  }
0x3e: {  	[tilespmem:s22], [sflag:$0x1] =	stream.indirect.gather @!p2 [hbm4b:s6+s25], $0x28, s23, s25, $0xb8;
	[tilespmem:$0x1FDC0] =	vst v63  }
0x3f: {  	_ =	swait.ge @!p2 [sflag:s24], $0x1400  }
0x40: {  	s31 =	sadd.s32 $0x10, s1;
	[sflag:s24] =	ssyncset.done @!p2 $0x0  }
0x41: {  	p4 =	sgt.u32 s31, $0x1869;
	[sflag:s24] =	ssyncadd.s32 @!p2 $0xFFFFEC00;
	s24 =	simm.s32 @!p2 $0x2  }
0x42: {  	[spmem:s2] =	stream.indirect.scatter.add.f32 @!p2 [tilespmem:s22], [sflag:$0x2], $0x28, s25, s25, $0xb8;
	[tilespmem:$0x1FDC0] =	vst v63  }
0x43: {  	s23 =	simm.s32 $0x20;
	s22 =	sadd.s32 $0x100, s17;
	_ =	swait.ge @!p2 [sflag:s24], $0x1400  }
.LBB2_6:
0x44: {  	s25 =	sadd.s32 @!p4 s22, s4  }
0x45: {  	s26 =	simm.s32 @!p4 $0x0;
	[sflag:s24] =	ssyncset.done @!p2 $0x0;
	s28 =	smov.u32 s23  }
0x46: {  	s23 =	sadd.s32 $0x10, s23;
	s29 =	simm.s32 @!p4 $0x3;
	[sflag:s24] =	ssyncadd.s32 @!p2 $0xFFFFEC00  }
0x47: {  	[tilespmem:s26], [sflag:$0x3] =	stream.linear.gather @!p4 [hbm4b:s25+s26], $0x80, $0x38;
	[tilespmem:$0x1FDC0] =	vst v63  }
0x48: {  	p3 =	sne.s32 s23, $0x1870;
	p2 =	por p4, p4;
	_ =	swait.ge @!p4 [sflag:s29], $0x80  }
0x49: {  	[sflag:s29] =	ssyncset.done @!p2 $0x0  }
0x4a: {  	s24 =	sadd.s32 @!p2 s22, s8;
	s25 =	simm.s32 @!p2 $0x80;
	[sflag:s29] =	ssyncadd.s32 @!p2 $0xFFFFFF80  }
0x4b: {  	[tilespmem:s25], [sflag:$0x3] =	stream.linear.gather @!p2 [hbm4b:s24+s26], $0x80, $0x38;
	[tilespmem:$0x1FDC0] =	vst v63  }
0x4c: {  	_ =	swait.ge @!p2 [sflag:s29], $0x80  }
0x4d: {  	[sflag:s29] =	ssyncset.done @!p2 $0x0  }
0x4e: {  	s24 =	simm.s32 @!p2 $0x1;
	[sflag:s29] =	ssyncadd.s32 @!p2 $0xFFFFFF80;
	s29 =	simm.s32 @!p2 $0x100  }
0x4f: {  	[tilespmem:s29], [sflag:$0x1] =	stream.indirect.gather @!p2 [hbm4b:s6+s25], $0x28, s26, s25, $0xb8;
	[tilespmem:$0x1FDC0] =	vst v63  }
.Ltmp3:
0x50: {  	_ =	swait.ge @!p2 [sflag:s24], $0x1400;
	(pc) =	sbr.rel @p3 .LBB2_6-.Ltmp3, $4  }
0x51: {  	[sflag:s24] =	ssyncset.done @!p2 $0x0  }
0x52: {  	s26 =	sadd.s32 s28, s1;
	[sflag:s24] =	ssyncadd.s32 @!p2 $0xFFFFEC00;
	s24 =	simm.s32 @!p2 $0x2  }
0x53: {  	[spmem:s2] =	stream.indirect.scatter.add.f32 @!p2 [tilespmem:s29], [sflag:$0x2], $0x28, s25, s25, $0xb8;
	[tilespmem:$0x1FDC0] =	vst v63  }
0x54: {  	s22 =	sadd.s32 $0x100, s22;
	p4 =	sgt.u32 s26, $0x1869;
	_ =	swait.ge @!p2 [sflag:s24], $0x1400  }
.Ltmp4:
0x55: {  	_ = 	snop;
	(pc) =	sbr.rel .LBB2_7-.Ltmp4, $1  }
0x56: {  	_ =	sdelay $0x3  }
.LBB2_2:
0x57: {  	s22 =	sadd.s32 @!p2 s17, s4;
	s23 =	simm.s32 @!p2 $0x0;
	s24 =	simm.s32 @!p2 $0x3  }
0x58: {  	[tilespmem:s23], [sflag:$0x3] =	stream.linear.gather @!p2 [hbm4b:s22+s23], $0x80, $0x38;
	[tilespmem:$0x1FDC0] =	vst v63  }
0x59: {  	_ =	swait.ge @!p2 [sflag:s24], $0x80;
	p2 =	por p2, p2  }
0x5a: {  	[sflag:s24] =	ssyncset.done @!p2 $0x0  }
0x5b: {  	s22 =	sadd.s32 @!p2 s17, s8;
	s25 =	simm.s32 @!p2 $0x80;
	[sflag:s24] =	ssyncadd.s32 @!p2 $0xFFFFFF80  }
0x5c: {  	[tilespmem:s25], [sflag:$0x3] =	stream.linear.gather @!p2 [hbm4b:s22+s23], $0x80, $0x38;
	[tilespmem:$0x1FDC0] =	vst v63  }
0x5d: {  	_ =	swait.ge @!p2 [sflag:s24], $0x80  }
0x5e: {  	[sflag:s24] =	ssyncset.done @!p2 $0x0  }
0x5f: {  	s22 =	simm.s32 @!p2 $0x100;
	[sflag:s24] =	ssyncadd.s32 @!p2 $0xFFFFFF80;
	s24 =	simm.s32 @!p2 $0x1  }
0x60: {  	[tilespmem:s22], [sflag:$0x1] =	stream.indirect.gather @!p2 [hbm4b:s5+s25], $0x28, s23, s25, $0xb8;
	[tilespmem:$0x1FDC0] =	vst v63  }
0x61: {  	_ =	swait.ge @!p2 [sflag:s24], $0x1400  }
0x62: {  	s31 =	sadd.s32 $0x10, s1;
	[sflag:s24] =	ssyncset.done @!p2 $0x0  }
0x63: {  	p4 =	sgt.u32 s31, $0x1869;
	[sflag:s24] =	ssyncadd.s32 @!p2 $0xFFFFEC00;
	s24 =	simm.s32 @!p2 $0x2  }
0x64: {  	[spmem:s2] =	stream.indirect.scatter.add.f32 @!p2 [tilespmem:s22], [sflag:$0x2], $0x28, s25, s25, $0xb8;
	[tilespmem:$0x1FDC0] =	vst v63  }
0x65: {  	s23 =	simm.s32 $0x20;
	s22 =	sadd.s32 $0x100, s17;
	_ =	swait.ge @!p2 [sflag:s24], $0x1400  }
.LBB2_3:
0x66: {  	s25 =	sadd.s32 @!p4 s22, s4  }
0x67: {  	s26 =	simm.s32 @!p4 $0x0;
	[sflag:s24] =	ssyncset.done @!p2 $0x0;
	s28 =	smov.u32 s23  }
0x68: {  	s23 =	sadd.s32 $0x10, s23;
	s29 =	simm.s32 @!p4 $0x3;
	[sflag:s24] =	ssyncadd.s32 @!p2 $0xFFFFEC00  }
0x69: {  	[tilespmem:s26], [sflag:$0x3] =	stream.linear.gather @!p4 [hbm4b:s25+s26], $0x80, $0x38;
	[tilespmem:$0x1FDC0] =	vst v63  }
0x6a: {  	p3 =	sne.s32 s23, $0x1870;
	p2 =	por p4, p4;
	_ =	swait.ge @!p4 [sflag:s29], $0x80  }
0x6b: {  	[sflag:s29] =	ssyncset.done @!p2 $0x0  }
0x6c: {  	s24 =	sadd.s32 @!p2 s22, s8;
	s25 =	simm.s32 @!p2 $0x80;
	[sflag:s29] =	ssyncadd.s32 @!p2 $0xFFFFFF80  }
0x6d: {  	[tilespmem:s25], [sflag:$0x3] =	stream.linear.gather @!p2 [hbm4b:s24+s26], $0x80, $0x38;
	[tilespmem:$0x1FDC0] =	vst v63  }
0x6e: {  	_ =	swait.ge @!p2 [sflag:s29], $0x80  }
0x6f: {  	[sflag:s29] =	ssyncset.done @!p2 $0x0  }
0x70: {  	s24 =	simm.s32 @!p2 $0x1;
	[sflag:s29] =	ssyncadd.s32 @!p2 $0xFFFFFF80;
	s29 =	simm.s32 @!p2 $0x100  }
0x71: {  	[tilespmem:s29], [sflag:$0x1] =	stream.indirect.gather @!p2 [hbm4b:s5+s25], $0x28, s26, s25, $0xb8;
	[tilespmem:$0x1FDC0] =	vst v63  }
.Ltmp5:
0x72: {  	_ =	swait.ge @!p2 [sflag:s24], $0x1400;
	(pc) =	sbr.rel @p3 .LBB2_3-.Ltmp5, $4  }
0x73: {  	[sflag:s24] =	ssyncset.done @!p2 $0x0  }
0x74: {  	s26 =	sadd.s32 s28, s1;
	[sflag:s24] =	ssyncadd.s32 @!p2 $0xFFFFEC00;
	s24 =	simm.s32 @!p2 $0x2  }
0x75: {  	[spmem:s2] =	stream.indirect.scatter.add.f32 @!p2 [tilespmem:s29], [sflag:$0x2], $0x28, s25, s25, $0xb8;
	[tilespmem:$0x1FDC0] =	vst v63  }
0x76: {  	s22 =	sadd.s32 $0x100, s22;
	p4 =	sgt.u32 s26, $0x1869;
	_ =	swait.ge @!p2 [sflag:s24], $0x1400  }
0x77: {  	s23 =	sadd.s32 @!p4 s22, s4;
	[sflag:s24] =	ssyncset.done @!p2 $0x0  }
0x78: {  	s25 =	simm.s32 @!p4 $0x0;
	s26 =	simm.s32 @!p4 $0x3;
	[sflag:s24] =	ssyncadd.s32 @!p2 $0xFFFFEC00  }
0x79: {  	[tilespmem:s25], [sflag:$0x3] =	stream.linear.gather @!p4 [hbm4b:s23+s25], $0x80, $0x38;
	[tilespmem:$0x1FDC0] =	vst v63  }
0x7a: {  	p2 =	por p4, p4;
	_ =	swait.ge @!p4 [sflag:s26], $0x80  }
0x7b: {  	[sflag:s26] =	ssyncset.done @!p2 $0x0  }
0x7c: {  	s22 =	sadd.s32 @!p2 s22, s8;
	s23 =	simm.s32 @!p2 $0x80;
	[sflag:s26] =	ssyncadd.s32 @!p2 $0xFFFFFF80  }
0x7d: {  	[tilespmem:s23], [sflag:$0x3] =	stream.linear.gather @!p2 [hbm4b:s22+s25], $0x80, $0x38;
	[tilespmem:$0x1FDC0] =	vst v63  }
0x7e: {  	_ =	swait.ge @!p2 [sflag:s26], $0x80  }
0x7f: {  	[sflag:s26] =	ssyncset.done @!p2 $0x0  }
0x80: {  	s24 =	simm.s32 @!p2 $0x1;
	s22 =	simm.s32 @!p2 $0x100;
	[sflag:s26] =	ssyncadd.s32 @!p2 $0xFFFFFF80  }
0x81: {  	[tilespmem:s22], [sflag:$0x1] =	stream.indirect.gather @!p2 [hbm4b:s5+s23], $0x28, s25, s23, $0xb8;
	[tilespmem:$0x1FDC0] =	vst v63  }
0x82: {  	_ =	swait.ge @!p2 [sflag:s24], $0x1400  }
0x83: {  	[sflag:s24] =	ssyncset.done @!p2 $0x0  }
0x84: {  	[sflag:s24] =	ssyncadd.s32 @!p2 $0xFFFFEC00;
	s24 =	simm.s32 @!p2 $0x2  }
0x85: {  	[spmem:s2] =	stream.indirect.scatter.add.f32 @!p2 [tilespmem:s22], [sflag:$0x2], $0x28, s23, s23, $0xb8;
	[tilespmem:$0x1FDC0] =	vst v63  }
0x86: {  	_ =	swait.ge @!p2 [sflag:s24], $0x1400  }
0x87: {  	[sflag:s24] =	ssyncset.done @!p2 $0x0  }
0x88: {  	[sflag:s24] =	ssyncadd.s32 @!p2 $0xFFFFEC00  }
0x89: {  	[bflag:$0x0] =	sbarrier.arrive $0xFFFF  }
0x8a: {  	[hbm:s11], [sflag:s16] =	dma.local @p1 [spmem:s21], $0x3C28  }
0x8b: {  	s21 =	simm.s32 @p1 $0x2  }
0x8c: {  	_ =	swait.ge @p1 [sflag:s21], $0x3C28  }
0x8d: {  	[sflag:s21] =	ssyncset.done @p1 $0x0  }
0x8e: {  	[sflag:s21] =	ssyncadd.s32 @p1 $0xFFFFC3D8  }
0x8f: {  	[hbm:s9], [sflag:s16] =	dma.local @!p1 [spmem:s20], $0x3D18  }
.Ltmp6:
0x90: {  	_ = 	snop;
	(pc) =	sbr.rel .LBB2_8-.Ltmp6, $4  }
0x91: {  	s20 =	simm.s32 @!p1 $0x2  }
0x92: {  	_ =	swait.ge @!p1 [sflag:s20], $0x3D18  }
0x93: {  	[sflag:s20] =	ssyncset.done @!p1 $0x0  }
0x94: {  	[sflag:s20] =	ssyncadd.s32 @!p1 $0xFFFFC2E8  }
.LBB2_9:
0x95: {  	_ =	sfence.sel $0x180000  }
0x96: {  	[bflag:$0x0] =	sbarrier.arrive $0xFFFF  }
0x97: {  	p0 =	sne.s32 s1, $0x0;
	_ =	strace $0x9000004A  }
0x98: {  	s0 =	sadd.s32 @!p0 $0x100000, s0;
	[bflag:$0x2] =	sbarrier.arrive $0xFFFF  }
0x99: {  	[sflag:s0] =	ssyncadd.tile.s32 @!p0 $0x1;
	_ =	shalt  }
.Lfunc_end2:
_tile_overlayer_lowered:
.L_overlay_start_2:
0x9a: {  	(tag) =	ssettag $0x2  }
0x9b: {  	s0 =	rddreg [dreg:$0x0];
	s2 =	stileid.u32  }
0x9c: {  	s1 =	rddreg [dreg:$0x1];
	p0 =	sne.s32 s2, $0x0  }
0x9d: {  	s3 =	rddreg [dreg:$0x2];
	[bflag:$0x3] =	sbarrier.arrive $0xFFFF;
	s2 =	simm.s32 @!p0 $0x1C02  }
0x9e: {  	[timem:s3], [sflag:s2] =	dma.local @!p0 [hbm:s0], s1  }
0x9f: {  	s0 =	simm.s32 @!p0 $0x2  }
0xa0: {  	_ =	swait.ge @!p0 [sflag:s0], s1  }
0xa1: {  	s1 =	ssub.s32 @!p0 $0x0, s1;
	[sflag:s0] =	ssyncset.done @!p0 $0x0  }
0xa2: {  	[sflag:s0] =	ssyncadd.s32 @!p0 s1  }
0xa3: {  	[bflag:$0x3] =	sbarrier.arrive $0xFFFF  }
0xa4: {  	_ =	shalt  }

// kernel: sparse-core-data-format-call.cloned.1.call-start
scs
called_computation_lowered:
.L_overlay_start_0:
0x0: {  	s1 =	sld [smem:$0x3FD9]  }
0x1: {  	s2 =	sld [smem:$0x3FFE];
	_ =	sdelay $0x1  }
0x2: {  	s3 =	srdreg.scid  }
0x3: {  	s0 =	sand.u32 $0x1, s3  }
0x4: {  	s17 =	sshll.u32 s0, $0xA;
	s1 =	sadd.s32 s2, s1  }
0x5: {  	s1 =	sadd.s32 s1, s17  }
0x6: {  	[smem:$0x3FB2] =	sst s1  }
0x7: {  	_ = 	snop  }
0x8: {  	(tm) =	ssettm $0x1  }
0x9: {  	s18 =	sld [smem:$0x3FFB];
	_ =	sdelay $0x3  }
0xa: {  	_ =	strace s18  }
0xb: {  	s1 =	sld [smem:$0x3FFC];
	_ =	sdelay $0x3  }
0xc: {  	_ =	strace s1  }
0xd: {  	s1 =	sld [smem:$0x3FFD];
	_ =	sdelay $0x3  }
0xe: {  	_ =	strace s1  }
0xf: {  	_ =	strace $0x8FFFFFFF  }
0x10: {  	s19 =	sld [smem:$0x3FDB];
	_ =	sdelay $0x1  }
0x11: {  	s20 =	simm.s32 $_scs_section_size  }
0x12: {  	s4 =	simm.s32 $_size__tile_overlayer_lowered;
	s5 =	simm.s32 $_tile_overlayer_lowered  }
0x13: {  	s23 =	simm.s32 $0x1BFF;
	s22 =	sshll.u32 s5, $0x1;
	s1 =	sadd.s32 s20, s19  }
0x14: {  	s6 =	simm.s32 $0x0;
	s21 =	sshll.u32 s4, $0x1;
	s4 =	sadd.s32 s22, s1  }
0x15: {  	[timem:s6], [sflag:s23] =	dma.local [hbm:s4], s21  }
0x16: {  	_ =	swait.ge [sflag:s23], s21  }
0x17: {  	s2 =	ssub.s32 $0x0, s21;
	[sflag:s23] =	ssyncset.done $0x0  }
0x18: {  	[sflag:s23] =	ssyncadd.s32 s2;
	_ =	sdelay $0x1  }
0x19: {  	s24 =	simm.s32 $0x1B8B  }
0x1a: {  	_ =	swait.ge [sflag:s24], $0x1  }
0x1b: {  	[sflag:s24] =	ssyncset.done $0x0  }
0x1c: {  	s26 =	simm.s32 $0x1B8E;
	s25 =	sld [smem:$0x3FFE];
	[sflag:s24] =	ssyncadd.s32 $0xFFFFFFFF  }
0x1d: {  	s27 =	simm.s32 $execute0_lowered;
	[smem:$0x3FD2] =	sst s26  }
0x1e: {  	s4 =	sshll.u32 s27, $0x1;
	_ =	strace $0x80000046;
	[dreg:$0x1] =	wrdreg $0xFFFFFFFF  }
0x1f: {  	s28 =	simm.s32 $_size_execute0_lowered;
	s1 =	sadd.s32 s1, s4;
	[dreg:$0x0] =	wrdreg $0x0  }
0x20: {  	s4 =	sshll.u32 s28, $0x1;
	[dreg:$0x2] =	wrdreg s1  }
0x21: {  	[dreg:$0x3] =	wrdreg s4  }
0x22: {  	[dreg:$0x4] =	wrdreg $0xC0  }
0x23: {  	_ =	task [dreg:s6], $0x5FFFF  }
0x24: {  	[dreg:$0x1] =	wrdreg $0xFFFFFFFF  }
0x25: {  	[dreg:$0x0] =	wrdreg $0x60  }
0x26: {  	[dreg:$0x2] =	wrdreg s25  }
0x27: {  	[dreg:$0x3] =	wrdreg $0x9  }
0x28: {  	_ =	task.clear_ibuf [dreg:s6], $0x4FFFF;
	_ =	strace $0x90000046  }
0x29: {  	s29 =	simm.s32 $0x9;
	_ =	strace $0x80000048  }
0x2a: {  	_ =	swait.ge [sflag:s29], $0x1  }
0x2b: {  	[sflag:s29] =	ssyncadd.s32 $0xFFFFFFFF  }
0x2c: {  	_ =	strace $0x90000048  }
0x2d: {  	_ =	sfence  }
0x2e: {  	s30 =	sld [smem:$0x0];
	_ =	sdelay $0x2  }
0x2f: {  	s31 =	sshll.u32 s3, $0xD;
	s3 =	sshrl.u32 s3, $0x2  }
0x30: {  	s2 =	sand.u32 $0x4000, s31;
	s1 =	sadd.s32 s3, s30  }
0x31: {  	s0 =	sor.u32 s2, s0;
	s1 =	sshll.u32 s1, $0x11  }
0x32: {  	s0 =	sor.u32 s1, s0  }
0x33: {  	s0 =	sadd.s32 $0x8F2B, s0  }
0x34: {  	[sflag:s0] =	ssyncadd.remote.s32 $0x1  }
0x35: {  	_ =	sfence.sel $0xFFFF  }
0x36: {  	[dreg:$0x0] =	wrdreg $0xFFFFFFFF;
	(pc) =	sbr.abs _section_cstart, $3  }
0x37: {  	[dreg:$0x1] =	wrdreg $0xFFFFFFFF  }
0x38: {  	_ =	task.clear_ibuf [dreg:s6], $0x2FFFF;
	_ =	strace $0x9FFFFFFF  }
0x39: {  	(tm) =	ssettm $0x7FFFFFFF  }
tec
execute0_lowered:
.L_overlay_start_1:
0x0: {  	(tag) =	ssettag $0x1  }
0x1: {  	s0 =	srdreg.scid  }
0x2: {  	s5 =	rddreg [dreg:$0x0];
	s4 =	simm.s32 $0x1;
	s1 =	sshll.u32 s0, $0x4  }
0x3: {  	s31 =	simm.s32 $0x2;
	s0 =	stileid.u32;
	s1 =	sand.u32 $0x10, s1  }
0x4: {  	s13 =	simm.s32 $0x0;
	p0 =	por $0x0, $0x0;
	s1 =	sor.u32 s0, s1  }
0x5: {  	s8 =	simm.s32 $0x30E00;
	s12 =	simm.s32 $0x0;
	s2 =	sshll.u32 s1, $0x7  }
.Ltmp0:
0x6: {  	s10 =	simm.s32 $0x0;
	s3 =	ssub.s32 $0xC300, s2;
	(pc) =	sbr.rel .LBB1_1-.Ltmp0, $4  }
0x7: {  	s1 =	rddreg [dreg:$0x1];
	_ =	strace $0x80000047;
	s6 =	sshrl.u32 s3, $0xC  }
0x8: {  	s11 =	simm.s32 $0x0;
	[sflag:s4] =	ssyncpa.u1 $0x0;
	s7 =	smul.u32 $0x3, s6  }
0x9: {  	s9 =	smov.u32 s2;
	s3 =	sadd.s32 $0x4800, s5;
	s5 =	sadd.s32 $0x129800, s5  }
0xa: {  	[sflag:s31] =	ssyncpa.u1 $0x0;
	s6 =	sadd.s32 $0x3, s7;
	s7 =	sadd.s32 $0x4, s7  }
.LBB1_5:
0xb: {  	s14 =	sadd.s32 $0x1000, s9  }
0xc: {  	s12 =	simm.s32 $0x1;
	p2 =	sgt.s32 s14, $0xC34F  }
0xd: {  	s12 =	simm.s32 @!p2 $0x0  }
0xe: {  	s16 =	sadd.s32 s12, s10  }
0xf: {  	s14 =	smov.u32 @p2 s2;
	p2 =	sgt.s32 s16, $0x2  }
0x10: {  	s16 =	simm.s32 @p2 $0x0;
	p2 =	sne.s32 s11, s7  }
.Ltmp1:
0x11: {  	p1 =	slt.u32 s11, $0x2;
	(pc) =	sbr.rel @!p2 .LBB1_6-.Ltmp1, $4  }
0x12: {  	s15 =	simm.s32 @!p1 $0x2  }
0x13: {  	s13 =	smov.u32 s9;
	p0 =	por !p0, !p0;
	_ =	swait.ge @!p1 [sflag:s15], $0x2000  }
0x14: {  	[sflag:s15] =	ssyncset.done @!p1 $0x0;
	s12 =	smov.u32 s10;
	s9 =	smov.u32 s14  }
0x15: {  	[sflag:s15] =	ssyncadd.s32 @!p1 $0xFFFFE000;
	s11 =	sadd.s32 $0x1, s11;
	s10 =	smov.u32 s16  }
.LBB1_1:
0x16: {  	p1 =	sge.u32 s11, s6  }
0x17: {  	s16 =	smov.u32 s10;
	s18 =	smov.u32 s9;
	p2 =	sgt.s32 @!p1 s10, $0x2  }
0x18: {  	s14 =	sand.u32 @!p1 $0x1FFFFFE, s9;
	s17 =	sshra.s32 @!p1 s10, $0x1F;
	p2 =	por !p2, p1  }
0x19: {  	s19 =	sshra.s32 @!p1 s9, $0x1F;
	s16 =	simm.s32 @p2 $0x2;
	p2 =	sgt.s32 @!p1 s9, $0xC2D0  }
0x1a: {  	s15 =	smulhi.u32 @!p1 $0x14F8B59, s14;
	s17 =	sand.u32 @!p1 s17, s10;
	p2 =	por !p2, p1  }
0x1b: {  	s16 =	ssub.s32 @!p1 s16, s17;
	s17 =	sand.u32 @!p1 s19, s9;
	s18 =	simm.s32 @p2 $0xC2D0  }
0x1c: {  	s16 =	sadd.s32 @!p1 $0xFFFFFFFE, s16;
	s17 =	ssub.s32 @!p1 s18, s17  }
0x1d: {  	s15 =	sshrl.u32 @!p1 s15, $0x8;
	p2 =	sgt.s32 @!p1 s16, $0x0;
	s18 =	sadd.s32 @!p1 $0xFFFF3D30, s17  }
0x1e: {  	s16 =	sshll.u32 @!p1 s16, $0x6;
	s17 =	ssub.s32 @!p1 $0xC350, s17;
	p3 =	sgt.s32 @!p1 s18, $0x7F  }
0x1f: {  	s16 =	ssub.s32 @!p1 $0x40, s16;
	p2 =	por !p2, p1;
	p3 =	por !p3, p1  }
0x20: {  	s15 =	smul.u32 @!p1 $0xC350, s15;
	s16 =	simm.s32 @!p2 $0x0;
	s17 =	simm.s32 @!p3 $0x0  }
0x21: {  	s16 =	smul.u32 @!p1 s17, s16  }
0x22: {  	s14 =	ssub.s32 @!p1 s14, s15;
	s17 =	smul.u32 @!p1 $0x61A80, s10  }
0x23: {  	s18 =	sxor.u32 @!p1 $0xFFFFFFFF, s11;
	s14 =	sshll.u32 @!p1 s14, $0x3  }
0x24: {  	s15 =	sand.u32 @!p1 $0x3FFFFFC0, s16;
	s16 =	sadd.s32 @!p1 s3, s17;
	s17 =	sshll.u32 @!p1 s18, $0xD  }
0x25: {  	s14 =	sadd.s32 @!p1 s14, s16;
	s16 =	sand.u32 @!p1 $0x2000, s17;
	s17 =	simm.s32 @!p1 $0x0  }
0x26: {  	[tilespmem:s16], [sflag:$0x1] =	stream.linear.gather @!p1 [hbm4b:s14+s17], s15, $0x38;
	[tilespmem:$0x8080] =	vst v63  }
0x27: {  	p1 =	seq.s32 s11, $0x0  }
0x28: {  	p2 =	sge.u32 @!p1 s11, s7  }
0x29: {  	p1 =	por p1, p2  }
.Ltmp2:
0x2a: {  	_ = 	snop;
	(pc) =	sbr.rel @p1 .LBB1_5-.Ltmp2, $1  }
0x2b: {  	_ =	sdelay $0x3  }
0x2c: {  	p1 =	sgt.s32 s12, $0x2;
	s14 =	smov.u32 s12  }
0x2d: {  	s15 =	sshra.s32 s12, $0x1F;
	s16 =	smov.u32 s13;
	s17 =	sshra.s32 s13, $0x1F  }
0x2e: {  	s14 =	simm.s32 @!p1 $0x2;
	s15 =	sand.u32 s15, s12;
	p1 =	sgt.s32 s13, $0xC2D0  }
0x2f: {  	s26 =	sand.u32 s17, s13;
	s14 =	ssub.s32 s14, s15;
	s16 =	simm.s32 @!p1 $0xC2D0  }
0x30: {  	s14 =	sadd.s32 $0xFFFFFFFE, s14;
	s15 =	ssub.s32 s16, s26  }
0x31: {  	p1 =	sgt.s32 s14, $0x0;
	s16 =	sadd.s32 $0xFFFF3D30, s15;
	s14 =	sshll.u32 s14, $0x6  }
0x32: {  	s15 =	ssub.s32 $0xC350, s15;
	p2 =	sgt.s32 s16, $0x7F;
	s14 =	ssub.s32 $0x40, s14  }
0x33: {  	s15 =	simm.s32 @p2 $0x0;
	s14 =	simm.s32 @p1 $0x0  }
0x34: {  	s14 =	smul.u32 s15, s14;
	_ =	sdelay $0x1  }
0x35: {  	s15 =	simm.s32 $0x1;
	s14 =	sand.u32 $0x3FFFFFC0, s14  }
0x36: {  	s15 =	simm.s32 @!p0 $0x0;
	_ =	swait.ge [sflag:s4], s14  }
0x37: {  	s15 =	sshll.u32 s15, $0xD;
	s14 =	ssub.s32 $0x0, s14;
	[sflag:s4] =	ssyncset.done $0x0  }
0x38: {  	s15 =	sor.u32 $0x40, s15;
	[sflag:s4] =	ssyncadd.s32 s14  }
0x39: {  	v0 =	vld [tilespmem:s15+$0x20]  }
0x3a: {  	v1 =	vld [tilespmem:s15+$0x30]  }
0x3b: {  	v2 =	vld [tilespmem:s15+$0xFFFFFFD0]  }
0x3c: {  	v5 =	vld [tilespmem:s15+$0x0]  }
0x3d: {  	v6 =	vld [tilespmem:s15+$0x10]  }
0x3e: {  	s27 =	sand.u32 $0x1, s11;
	v3 =	vld [tilespmem:s15+$0xFFFFFFE0]  }
0x3f: {  	s14 =	smul.u32 $0x8100, s27;
	v4 =	vld [tilespmem:s15+$0xFFFFFFF0]  }
0x40: {  	s28 =	simm.s32 $0x0;
	v1 =	vperm.xlane.i2c.b16 v1  }
0x41: {  	s29 =	sand.u32 $0x7C, s28;
	s18 =	sadd.s32 $0x80, s15;
	v8 =	vld [tilespmem:s15+$0xFFFFFFC0];
	s14 =	sshrl.u32 s14, $0x2;
	v7 =	vperm.xlane.i2c.b16 v0;
	v0 =	vperm.xlane.i2c.b16 v2  }
0x42: {  	s30 =	sand.u32 $0x80, s28;
	s31 =	sshrl.u32 s29, $0x1;
	v10 =	vld [tilespmem:s18+$0x30];
	s14 =	sor.u32 $0x4000, s14;
	v5 =	vperm.xlane.i2c.b16 v5;
	v6 =	vperm.xlane.i2c.b16 v6  }
0x43: {  	s15 =	sshrl.u32 s30, $0x1;
	s16 =	sadd.s32 s31, s14;
	v2 =	vld [tilespmem:s18+$0x20];
	v3 =	vperm.xlane.i2c.b16 v3;
	v9 =	vcombine.low v7, v1  }
0x44: {  	v12 =	vld [tilespmem:s18+$0xFFFFFFD0];
	s15 =	sadd.s32 s15, s16;
	v11 =	vperm.xlane.i2c.b16 v4;
	v13 =	vcombine.low v5, v6  }
0x45: {  	v1 =	vcombine.high v7, v1;
	v7 =	vld [tilespmem:s18+$0xFFFFFFE0];
	[tilespmem:s15+$0x1830 ss:$0x81] =	vst.msk $0xffff, v9  }
0x46: {  	v4 =	vld [tilespmem:s18+$0xFFFFFFF0];
	v9 =	vcombine.low v3, v11;
	v11 =	vcombine.high v3, v11;
	[tilespmem:s15+$0x1020 ss:$0x81] =	vst.msk $0xffff, v13  }
0x47: {  	s16 =	simm.s32 $0x4;
	v3 =	vld [tilespmem:s18+$0x0];
	[tilespmem:s15+$0x1831 ss:$0x81] =	vst.msk $0xffff, v1;
	v1 =	vperm.xlane.i2c.b16 v8;
	v8 =	vperm.xlane.i2c.b16 v10  }
0x48: {  	s17 =	simm.s32 $0x2;
	s20 =	sand.u32 $0x7C, s16;
	v10 =	vperm.xlane.i2c.b16 v2;
	[tilespmem:s15+$0x810 ss:$0x81] =	vst.msk $0xffff, v9;
	v9 =	vcombine.high v5, v6;
	v5 =	vld [tilespmem:s18+$0x10]  }
0x49: {  	s19 =	sand.u32 $0x80, s16;
	s20 =	sshrl.u32 s20, $0x1;
	v2 =	vperm.xlane.i2c.b16 v12;
	v6 =	vld [tilespmem:s18+$0xFFFFFFC0];
	s18 =	sadd.s32 $0x80, s18;
	[tilespmem:s15+$0x811 ss:$0x81] =	vst.msk $0xffff, v11;
	v11 =	vcombine.low v1, v0  }
.LBB1_3:
0x4a: {  	v12 =	vld [tilespmem:s18+$0x20];
	s20 =	sadd.s32 s20, s14;
	s19 =	sshrl.u32 s19, $0x1;
	v13 =	vperm.xlane.i2c.b16 v7;
	v7 =	vcombine.low v10, v8;
	[tilespmem:s15+$0x1021 ss:$0x81] =	vst.msk $0xffff, v9  }
0x4b: {  	s17 =	sadd.s32 $0x2, s17;
	v14 =	vld [tilespmem:s18+$0x30];
	s19 =	sadd.s32 s19, s20;
	v9 =	vperm.xlane.i2c.b16 v4;
	v4 =	vcombine.high v10, v8;
	[tilespmem:s15+$0x0 ss:$0x81] =	vst.msk $0xffff, v11  }
0x4c: {  	p1 =	slt.u32 s17, $0x7E;
	v11 =	vld [tilespmem:s18+$0xFFFFFFD0];
	v8 =	vperm.xlane.i2c.b16 v3;
	[tilespmem:s19+$0x1830 ss:$0x81] =	vst.msk $0xffff, v7;
	v3 =	vcombine.high v1, v0;
	v0 =	vmov v2  }
.Ltmp3:
0x4d: {  	v7 =	vld [tilespmem:s18+$0xFFFFFFE0];
	v2 =	vcombine.low v13, v9;
	v5 =	vperm.xlane.i2c.b16 v5;
	[tilespmem:s19+$0x1831 ss:$0x81] =	vst.msk $0xffff, v4;
	(pc) =	sbr.rel @p1 .LBB1_3-.Ltmp3, $4  }
0x4e: {  	v4 =	vld [tilespmem:s18+$0xFFFFFFF0];
	v1 =	vperm.xlane.i2c.b16 v6;
	v6 =	vcombine.high v13, v9;
	[tilespmem:s15+$0x1 ss:$0x81] =	vst.msk $0xffff, v3;
	s15 =	smov.u32 s19  }
0x4f: {  	s16 =	sadd.s32 $0x4, s16;
	v3 =	vld [tilespmem:s18+$0x0];
	[tilespmem:s15+$0x810 ss:$0x81] =	vst.msk $0xffff, v2;
	v13 =	vcombine.low v8, v5;
	v9 =	vcombine.high v8, v5  }
0x50: {  	s20 =	sand.u32 $0x7C, s16;
	v10 =	vperm.xlane.i2c.b16 v12;
	v5 =	vld [tilespmem:s18+$0x10];
	v8 =	vperm.xlane.i2c.b16 v14;
	[tilespmem:s15+$0x811 ss:$0x81] =	vst.msk $0xffff, v6  }
0x51: {  	s20 =	sshrl.u32 s20, $0x1;
	s19 =	sand.u32 $0x80, s16;
	v6 =	vld [tilespmem:s18+$0xFFFFFFC0];
	v2 =	vperm.xlane.i2c.b16 v11;
	s18 =	sadd.s32 $0x80, s18;
	v11 =	vcombine.low v1, v0;
	[tilespmem:s15+$0x1020 ss:$0x81] =	vst.msk $0xffff, v13  }
0x52: {  	s16 =	sadd.s32 s20, s14;
	s17 =	sshll.u32 s13, $0x3;
	s30 =	sshll.u32 s13, $0x1  }
0x53: {  	s18 =	sshrl.u32 s19, $0x1;
	v7 =	vperm.xlane.i2c.b16 v7;
	v12 =	vcombine.low v10, v8;
	[tilespmem:s15+$0x1021 ss:$0x81] =	vst.msk $0xffff, v9;
	s17 =	sand.u32 $0xFFFFFC00, s17;
	s13 =	sand.u32 $0xFE, s30  }
0x54: {  	v0 =	vcombine.high v1, v0;
	s16 =	sadd.s32 s18, s16;
	v4 =	vperm.xlane.i2c.b16 v4;
	[tilespmem:s15+$0x0 ss:$0x81] =	vst.msk $0xffff, v11;
	s13 =	sor.u32 s13, s17  }
0x55: {  	v59 =	vcombine.high v10, v8;
	v3 =	vperm.xlane.i2c.b16 v3;
	[tilespmem:s16+$0x1830 ss:$0x81] =	vst.msk $0xffff, v12;
	s17 =	smulhi.u32 $0xA79C7B17, s13  }
0x56: {  	[tilespmem:s15+$0x1 ss:$0x81] =	vst.msk $0xffff, v0;
	v60 =	vcombine.low v7, v4;
	v5 =	vperm.xlane.i2c.b16 v5  }
0x57: {  	s12 =	smul.u32 $0x61C00, s12;
	[tilespmem:s16+$0x1831 ss:$0x81] =	vst.msk $0xffff, v59;
	v4 =	vcombine.high v7, v4;
	s31 =	sshrl.u32 s17, $0xF  }
0x58: {  	v61 =	vperm.xlane.i2c.b16 v6;
	[tilespmem:s16+$0x810 ss:$0x81] =	vst.msk $0xffff, v60;
	v62 =	vcombine.low v3, v5;
	s17 =	smul.u32 $0xC380, s31  }
0x59: {  	s12 =	sadd.s32 s5, s12;
	v3 =	vcombine.high v3, v5;
	[tilespmem:s16+$0x811 ss:$0x81] =	vst.msk $0xffff, v4  }
.Ltmp4:
0x5a: {  	s15 =	sand.u32 $0x7F, s31;
	v63 =	vcombine.low v61, v2;
	[tilespmem:s16+$0x1020 ss:$0x81] =	vst.msk $0xffff, v62;
	s13 =	ssub.s32 s13, s17;
	(pc) =	sbr.rel .LBB1_5-.Ltmp4, $4  }
0x5b: {  	v0 =	vcombine.high v61, v2;
	s15 =	smul.u32 $0xC38, s15;
	[tilespmem:s16+$0x1021 ss:$0x81] =	vst.msk $0xffff, v3;
	s17 =	sshrl.u32 s13, $0x4;
	s13 =	sshll.u32 s13, $0x11  }
0x5c: {  	[tilespmem:s16+$0x0 ss:$0x81] =	vst.msk $0xffff, v63;
	s12 =	sadd.s32 s17, s12;
	s13 =	sand.u32 $0x1C0000, s13  }
0x5d: {  	[tilespmem:s16+$0x1 ss:$0x81] =	vst.msk $0xffff, v0;
	s12 =	sadd.s32 s15, s12;
	s13 =	sor.u32 $0x200, s13  }
0x5e: {  	[hbm4b:s12+s13] =	stream.strided.scatter [tilespmem:s14], [sflag:$0x2], $0x2000, s8, s13, $0x20;
	[tilespmem:$0x8080] =	vst v63  }
.LBB1_6:
0x5f: {  	_ =	sfence.sel $0x180000  }
0x60: {  	s2 =	simm.s32 $0x1;
	[bflag:$0x0] =	sbarrier.arrive $0xFFFF  }
0x61: {  	s31 =	simm.s32 $0x2;
	[sflag:s2] =	ssyncpa.u1 $0x1  }
0x62: {  	[sflag:s31] =	ssyncpa.u1 $0x1  }
0x63: {  	p0 =	sne.s32 s0, $0x0;
	_ =	strace $0x90000047  }
0x64: {  	s0 =	sadd.s32 @!p0 $0x100000, s1;
	[bflag:$0x2] =	sbarrier.arrive $0xFFFF  }
0x65: {  	[sflag:s0] =	ssyncadd.tile.s32 @!p0 $0x1;
	_ =	shalt  }
.Lfunc_end1:
_tile_overlayer_lowered:
.L_overlay_start_2:
0x66: {  	(tag) =	ssettag $0x2  }
0x67: {  	s0 =	rddreg [dreg:$0x0];
	s2 =	stileid.u32  }
0x68: {  	s1 =	rddreg [dreg:$0x1];
	p0 =	sne.s32 s2, $0x0  }
0x69: {  	s3 =	rddreg [dreg:$0x2];
	[bflag:$0x3] =	sbarrier.arrive $0xFFFF;
	s2 =	simm.s32 @!p0 $0x1C01  }
0x6a: {  	[timem:s3], [sflag:s2] =	dma.local @!p0 [hbm:s0], s1  }
0x6b: {  	s0 =	simm.s32 @!p0 $0x1  }
0x6c: {  	_ =	swait.ge @!p0 [sflag:s0], s1  }
0x6d: {  	s1 =	ssub.s32 @!p0 $0x0, s1;
	[sflag:s0] =	ssyncset.done @!p0 $0x0  }
0x6e: {  	[sflag:s0] =	ssyncadd.s32 @!p0 s1  }
0x6f: {  	[bflag:$0x3] =	sbarrier.arrive $0xFFFF  }
0x70: {  	_ =	shalt  }

</sc_bundles>
